<compile_context>
chip_gen: v7x
topology: tpu7x:2x2x1
jax: 0.10.2.dev20260603
libtpu: 0.0.44.dev20260713+nightly
codegen_flags: <defaults>
</compile_context>

<pallas_src>
import functools

import jax
import jax.numpy as jnp
from jax import lax
from jax.experimental import pallas as pl
from jax.experimental.pallas import tpu as pltpu
from jax.experimental.pallas import tpu_sc as plsc

NN = 10000
DD = 128
EE = 160000
SC_NC = 2
SC_NS = 16
SC_NW = SC_NC * SC_NS
ECH = 128
NCHUNK = EE // ECH
KMAX = -(-NCHUNK // SC_NW)
NCHP = 1280
CPT = NCHP // SC_NS
ACC_ROWS = 10240
STRIPE = ACC_ROWS // SC_NS
NPAD = 10240
BI = 1024
BJ = 1024
NIB = NPAD // BI
NJB = NPAD // BJ
INV_TEMP = 2.0
_LOG2E = 1.4426950408889634
_LN2 = 0.6931471805599453


def _dinv_block(degp_ref, i, B):
    deg = jnp.sum(degp_ref[:, pl.ds(i * B, B)], axis=0) + 1.0
    return lax.rsqrt(deg)[:, None]


def _k1_body(x_ref, w_ref, degp_ref, hs_ref):
    i = pl.program_id(0)
    dinv = _dinv_block(degp_ref, i, x_ref.shape[0])
    h = jnp.dot(x_ref[...], w_ref[...], preferred_element_type=jnp.float32)
    hs_ref[...] = h * dinv


def _k1(x, w, degp):
    B = 2048
    grid = (NPAD // B,)
    return pl.pallas_call(
        _k1_body,
        grid=grid,
        in_specs=[
            pl.BlockSpec((B, DD), lambda i: (i, 0)),
            pl.BlockSpec((DD, DD), lambda i: (0, 0)),
            pl.BlockSpec((SC_NS, NPAD), lambda i: (0, 0)),
        ],
        out_specs=pl.BlockSpec((B, DD), lambda i: (i, 0)),
        out_shape=jax.ShapeDtypeStruct((NPAD, DD), jnp.float32),
    )(x, w, degp)


def _k5_body(acc_ref, hs_ref, degp_ref, b_ref, w1_ref, b1_ref,
             w2_ref, b2_ref, a_ref):
    i = pl.program_id(0)
    dinv = _dinv_block(degp_ref, i, acc_ref.shape[0])
    g = dinv * (acc_ref[...] + hs_ref[...]) + b_ref[...]
    t = jnp.dot(g, w1_ref[...], preferred_element_type=jnp.float32) + b1_ref[...]
    z = jnp.where(t > 0.0, t, jnp.exp(jnp.minimum(t, 0.0)) - 1.0)
    z2 = jnp.dot(z, w2_ref[...], preferred_element_type=jnp.float32) + b2_ref[...]
    nrm = jnp.sqrt(jnp.sum(z2 * z2, axis=1, keepdims=True))
    a_ref[...] = z2 / jnp.maximum(nrm, 1e-12)


def _k5(acc, hs, degp, b, w1, b1, w2, b2):
    B = 2048
    grid = (NPAD // B,)
    row = lambda i: (i, 0)
    full = lambda i: (0, 0)
    return pl.pallas_call(
        _k5_body,
        grid=grid,
        in_specs=[
            pl.BlockSpec((B, DD), row),
            pl.BlockSpec((B, DD), row),
            pl.BlockSpec((SC_NS, NPAD), full),
            pl.BlockSpec((1, DD), full),
            pl.BlockSpec((DD, DD), full),
            pl.BlockSpec((1, DD), full),
            pl.BlockSpec((DD, DD), full),
            pl.BlockSpec((1, DD), full),
        ],
        out_specs=pl.BlockSpec((B, DD), row),
        out_shape=jax.ShapeDtypeStruct((NPAD, DD), jnp.float32),
    )(acc, hs, degp, b, w1, b1, w2, b2)


def _dott(x, y):
    return lax.dot_general(x, y, (((1,), (1,)), ((), ())),
                           preferred_element_type=jnp.float32)


def _k6_body(aI_ref, bI_ref, aJ_ref, bJ_ref,
             r11c_ref, r12c_ref, r22c_ref, d11_ref, d12_ref, d22_ref,
             r11l_ref, r22l_ref, c12l_ref):
    i = pl.program_id(0)
    j = pl.program_id(1)
    aI = aI_ref[...]
    bI = bI_ref[...]
    aJ = aJ_ref[...]
    bJ = bJ_ref[...]
    s12 = _dott(aI, bJ)
    e12 = jnp.exp2(s12)
    jm1 = ((lax.broadcasted_iota(jnp.int32, (1, BJ), 1) + j * BJ) < NN
           ).astype(jnp.float32)
    imcol = ((lax.broadcasted_iota(jnp.int32, (BI, 1), 0) + i * BI) < NN
             ).astype(jnp.float32)

    @pl.when(j == 0)
    def _():
        r11c_ref[...] = jnp.zeros_like(r11c_ref)
        r12c_ref[...] = jnp.zeros_like(r12c_ref)
        r22c_ref[...] = jnp.zeros_like(r22c_ref)
        d11_ref[...] = jnp.zeros_like(d11_ref)
        d12_ref[...] = jnp.zeros_like(d12_ref)
        d22_ref[...] = jnp.zeros_like(d22_ref)

    @pl.when(jnp.logical_and(i == 0, j == 0))
    def _():
        r11l_ref[...] = jnp.zeros_like(r11l_ref)
        r22l_ref[...] = jnp.zeros_like(r22l_ref)
        c12l_ref[...] = jnp.zeros_like(c12l_ref)

    r12c_ref[...] += _dott(e12, jm1)
    c12l_ref[pl.ds(j, 1), :] += jnp.sum(e12 * imcol, axis=0).reshape(1, BJ)

    @pl.when(i <= j)
    def _():
        e11 = jnp.exp2(_dott(aI, aJ))
        e22 = jnp.exp2(_dott(bI, bJ))
        r11c_ref[...] += _dott(e11, jm1)
        r22c_ref[...] += _dott(e22, jm1)

        @pl.when(i < j)
        def _():
            r11l_ref[pl.ds(j, 1), :] += jnp.sum(e11, axis=0).reshape(1, BJ)
            r22l_ref[pl.ds(j, 1), :] += jnp.sum(e22, axis=0).reshape(1, BJ)

        @pl.when(i == j)
        def _():
            eye = (lax.broadcasted_iota(jnp.int32, (BI, BJ), 0)
                   == lax.broadcasted_iota(jnp.int32, (BI, BJ), 1)
                   ).astype(jnp.float32)
            d11_ref[...] += _dott(e11 * eye, jm1)
            d12_ref[...] += _dott(s12 * eye, jm1)
            d22_ref[...] += _dott(e22 * eye, jm1)


def _k6(a1p, a2p, a1s, a2s):
    colspec = pl.BlockSpec((BI, 1), lambda i, j: (i, 0))
    col = jax.ShapeDtypeStruct((NPAD, 1), jnp.float32)
    lanespec = pl.BlockSpec((NIB, BI), lambda i, j: (0, 0))
    lane = jax.ShapeDtypeStruct((NIB, BI), jnp.float32)
    return pl.pallas_call(
        _k6_body,
        grid=(NIB, NJB),
        in_specs=[
            pl.BlockSpec((BI, DD), lambda i, j: (i, 0)),
            pl.BlockSpec((BI, DD), lambda i, j: (i, 0)),
            pl.BlockSpec((BJ, DD), lambda i, j: (j, 0)),
            pl.BlockSpec((BJ, DD), lambda i, j: (j, 0)),
        ],
        out_specs=[colspec, colspec, colspec, colspec, colspec, colspec,
                   lanespec, lanespec, lanespec],
        out_shape=[col, col, col, col, col, col, lane, lane, lane],
    )(a1p, a2p, a1s, a2s)


def _k7_body(r11c_ref, r11l_ref, r12_ref, d11_ref, d12_ref,
             r22c_ref, r22l_ref, c12_ref, d22_ref, out_ref):
    k = pl.program_id(0)
    imc = ((lax.broadcasted_iota(jnp.int32, (BI, 1), 0) + k * BI) < NN
           ).astype(jnp.float32)
    x1 = r11c_ref[...] + r11l_ref[...] + r12_ref[...] - d11_ref[...]
    x2 = r22c_ref[...] + r22l_ref[...] + c12_ref[...] - d22_ref[...]
    p = jnp.sum((0.5 * (jnp.log(x1) + jnp.log(x2))
                 - _LN2 * d12_ref[...]) * imc)

    @pl.when(k == 0)
    def _():
        out_ref[0, 0] = 0.0

    out_ref[0, 0] += p * (1.0 / NN)


def _k7(r11c, r11l, r12, d11, d12, r22c, r22l, c12, d22):
    colspec = pl.BlockSpec((BI, 1), lambda k: (k, 0))
    return pl.pallas_call(
        _k7_body,
        grid=(NIB,),
        in_specs=[colspec] * 9,
        out_specs=pl.BlockSpec(memory_space=pltpu.SMEM),
        out_shape=jax.ShapeDtypeStruct((1, 1), jnp.float32),
    )(r11c, r11l, r12, d11, d12, r22c, r22l, c12, d22)


@functools.lru_cache(maxsize=None)
def _sc_mesh():
    return plsc.VectorSubcoreMesh(core_axis_name="c", subcore_axis_name="s",
                                  num_cores=SC_NC, num_subcores=SC_NS)


def _sc_deg(edge_st):
    return pl.kernel(
        _sc_deg_body,
        out_type=jax.ShapeDtypeStruct((SC_NC, SC_NS, NN), jnp.float32),
        mesh=_sc_mesh(),
        scratch_types=[
            pltpu.VMEM((CPT, ECH), jnp.int32),
            pltpu.VMEM((ACC_ROWS,), jnp.float32),
        ],
        compiler_params=pltpu.CompilerParams(needs_layout_passes=False,
                                             use_tc_tiling_on_sc=False),
    )(edge_st)


def _sc_deg_body(edge_ref, deg_ref, idx_v, degloc):
    c = lax.axis_index("c")
    s = lax.axis_index("s")
    base = s * CPT

    def zb(k, carry):
        degloc[pl.ds(k * 16, 16)] = jnp.zeros((16,), jnp.float32)
        return carry

    lax.fori_loop(0, ACC_ROWS // 16, zb, None)
    pltpu.sync_copy(edge_ref.at[c, 1, pl.ds(base, CPT)], idx_v)
    ones = jnp.ones((16,), jnp.float32)

    def chunk(kl, carry):
        g = base + kl

        @pl.when(g < NCHUNK)
        def _():
            for t in range(ECH // 16):
                idx = idx_v[kl, pl.ds(t * 16, 16)]
                plsc.addupdate_scatter(degloc, [idx], ones)

        return carry

    lax.fori_loop(0, CPT, chunk, None)
    pltpu.sync_copy(degloc.at[pl.ds(0, NN)], deg_ref.at[c, s])


def _sc_scatter(hs_st, edge_st):
    return pl.kernel(
        _sc_scatter_body,
        out_type=jax.ShapeDtypeStruct((SC_NC, ACC_ROWS, DD), jnp.float32),
        mesh=_sc_mesh(),
        scratch_types=[
            pltpu.VMEM((CPT // 2, ECH), jnp.int32),
            pltpu.VMEM((CPT // 2, ECH), jnp.int32),
            pltpu.VMEM((ECH, DD), jnp.float32),
            pltpu.VMEM((ECH, DD), jnp.float32),
            pltpu.VMEM_SHARED((ACC_ROWS, DD), jnp.float32),
            pltpu.SemaphoreType.DMA,
            pltpu.SemaphoreType.DMA,
        ],
        compiler_params=pltpu.CompilerParams(needs_layout_passes=False,
                                             use_tc_tiling_on_sc=False),
    )(hs_st, edge_st)


def _sc_scatter_body(hs_ref, edge_ref, acc_ref, src_v, dst_v, rows0, rows1,
                     acc_sh, sem0, sem1):
    c = lax.axis_index("c")
    s = lax.axis_index("s")
    base = s * CPT
    hs_c = hs_ref.at[c]

    def zb(k, carry):
        r = k // (DD // 16)
        t = k % (DD // 16)
        rows0[r, pl.ds(t * 16, 16)] = jnp.zeros((16,), jnp.float32)
        return carry

    lax.fori_loop(0, ECH * (DD // 16), zb, None)
    for sblk in range(STRIPE // ECH):
        pltpu.sync_copy(rows0, acc_sh.at[pl.ds(s * STRIPE + sblk * ECH, ECH)])
    plsc.subcore_barrier()

    bufs = (rows0, rows1)
    sems = (sem0, sem1)
    HC = CPT // 2

    for h in range(2):
        hbase = base + h * HC
        pltpu.sync_copy(edge_ref.at[c, 0, pl.ds(hbase, HC)], src_v)
        pltpu.sync_copy(edge_ref.at[c, 1, pl.ds(hbase, HC)], dst_v)

        @pl.when(hbase < NCHUNK)
        def _():
            pltpu.async_copy(hs_c.at[src_v.at[0]], rows0, sem0)

        def pair(k2, carry):
            for ph in range(2):
                kl = 2 * k2 + ph
                g = hbase + kl
                buf = bufs[ph]
                sem = sems[ph]
                obuf = bufs[1 - ph]
                osem = sems[1 - ph]

                @pl.when(g < NCHUNK)
                def _():
                    pltpu.make_async_copy(hs_c.at[src_v.at[kl]], buf,
                                          sem).wait()

                @pl.when(jnp.logical_and(g + 1 < NCHUNK, kl + 1 < HC))
                def _():
                    pltpu.async_copy(hs_c.at[src_v.at[kl + 1]], obuf, osem)

                @pl.when(g < NCHUNK)
                def _():
                    pltpu.sync_copy(buf, acc_sh.at[dst_v.at[kl]], add=True)

            return carry

        lax.fori_loop(0, HC // 2, pair, None)
    plsc.subcore_barrier()
    pltpu.sync_copy(acc_sh.at[pl.ds(s * STRIPE, STRIPE)],
                    acc_ref.at[c, pl.ds(s * STRIPE, STRIPE)])


def kernel(edge1, edge2, feat1, feat2, W_gcn, b_gcn, fc1_W, fc1_b, fc2_W,
           fc2_b):
    f1p = jnp.pad(feat1, ((0, NPAD - NN), (0, 0)))
    f2p = jnp.pad(feat2, ((0, NPAD - NN), (0, 0)))
    e1r = jnp.pad(edge1.reshape(2, NCHUNK, ECH),
                  ((0, 0), (0, NCHP - NCHUNK), (0, 0)))
    e2r = jnp.pad(edge2.reshape(2, NCHUNK, ECH),
                  ((0, 0), (0, NCHP - NCHUNK), (0, 0)))
    edge_st = jnp.stack([e1r, e2r])
    degp = _sc_deg(edge_st)
    degp1 = jnp.pad(degp[0], ((0, 0), (0, NPAD - NN)))
    degp2 = jnp.pad(degp[1], ((0, 0), (0, NPAD - NN)))
    hs1 = _k1(f1p, W_gcn, degp1)
    hs2 = _k1(f2p, W_gcn, degp2)
    accp = _sc_scatter(jnp.stack([hs1, hs2]), edge_st)
    b2d = b_gcn.reshape(1, DD)
    b1d = fc1_b.reshape(1, DD)
    b2d2 = fc2_b.reshape(1, DD)
    a1p = _k5(accp[0], hs1, degp1, b2d, fc1_W, b1d, fc2_W, b2d2)
    a2p = _k5(accp[1], hs2, degp2, b2d, fc1_W, b1d, fc2_W, b2d2)
    r11c, r12c, r22c, d11, d12, d22, r11l, r22l, c12l = _k6(
        a1p.astype(jnp.bfloat16), a2p.astype(jnp.bfloat16),
        (a1p * (INV_TEMP * _LOG2E)).astype(jnp.bfloat16),
        (a2p * (INV_TEMP * _LOG2E)).astype(jnp.bfloat16))
    loss = _k7(r11c, r11l.reshape(NPAD, 1), r12c, d11, d12,
               r22c, r22l.reshape(NPAD, 1), c12l.reshape(NPAD, 1), d22)
    return loss[0, 0]

# --- scband reference (transcript-rebuilt; emitter-appended) ---
"""Pipeline reference for scband-gscledge-14748917694890 (READ-ONLY COPY).

The authoritative reference and input builder live on the scoring server;
editing this copy changes nothing except your own understanding.
"""

import jax, jax.numpy as jnp
import numpy as np

N = 10000
E = 160000
D = 128  # in_dim == act_fn (GCN out channels) == proj hidden
OUT = 128
TEMP = 0.5


def setup_inputs(seed: int = 0) -> dict:
    key = jax.random.key(seed)
    ks = jax.random.split(key, 12)
    inp = {}
    inp["edge1"] = jax.random.randint(ks[0], (2, E), 0, N, dtype=jnp.int32)
    inp["edge2"] = jax.random.randint(ks[1], (2, E), 0, N, dtype=jnp.int32)
    inp["feat1"] = jax.random.normal(ks[2], (N, D), dtype=jnp.float32)
    inp["feat2"] = jax.random.normal(ks[3], (N, D), dtype=jnp.float32)
    sc = 1.0 / np.sqrt(D)
    inp["W_gcn"] = jax.random.normal(ks[4], (D, D), dtype=jnp.float32) * sc
    inp["b_gcn"] = jnp.zeros((D,), dtype=jnp.float32)
    inp["fc1_W"] = jax.random.normal(ks[5], (D, OUT), dtype=jnp.float32) * sc
    inp["fc1_b"] = jnp.zeros((OUT,), dtype=jnp.float32)
    inp["fc2_W"] = jax.random.normal(ks[6], (OUT, D), dtype=jnp.float32) * (1.0 / np.sqrt(OUT))
    inp["fc2_b"] = jnp.zeros((D,), dtype=jnp.float32)
    return inp


def _gcn(x, edge_index, W, b):
    n = x.shape[0]
    loop = jnp.arange(n, dtype=edge_index.dtype)
    src = jnp.concatenate([edge_index[0], loop])
    dst = jnp.concatenate([edge_index[1], loop])
    deg = jnp.zeros((n,), dtype=x.dtype).at[dst].add(1.0)
    dinv = jax.lax.rsqrt(jnp.maximum(deg, 1.0))
    norm = dinv[src] * dinv[dst]
    h = x @ W
    msg = h[src] * norm[:, None]
    out = jnp.zeros((n, W.shape[1]), dtype=x.dtype).at[dst].add(msg)
    return out + b


def _mlp(x, fc1_W, fc1_b, fc2_W, fc2_b):
    z = jax.nn.elu(x @ fc1_W + fc1_b)
    return z @ fc2_W + fc2_b


def _normalize(z):
    nrm = jnp.linalg.norm(z, axis=1, keepdims=True)
    return z / jnp.maximum(nrm, 1e-12)


def _contrastive(z1, z2):
    a = _normalize(z1)
    b = _normalize(z2)
    refl = jnp.exp((a @ a.T) / TEMP)
    betw = jnp.exp((a @ b.T) / TEMP)
    x1 = refl.sum(1) + betw.sum(1) - jnp.diag(refl)
    return -jnp.log(jnp.diag(betw) / x1)


def reference(edge1, edge2, feat1, feat2, W_gcn, b_gcn, fc1_W, fc1_b, fc2_W, fc2_b):
    h1 = _gcn(feat1, edge1, W_gcn, b_gcn)
    h2 = _gcn(feat2, edge2, W_gcn, b_gcn)
    z1 = _mlp(h1, fc1_W, fc1_b, fc2_W, fc2_b)
    z2 = _mlp(h2, fc1_W, fc1_b, fc2_W, fc2_b)
    l1 = _contrastive(z1, z2)
    l2 = _contrastive(z2, z1)
    return ((l1 + l2) * 0.5).mean()

if __name__ == "__main__":
    import jax
    _d = setup_inputs()
    print(jax.jit(kernel)(*tuple(_d.values())))

</pallas_src>

<mosaic_0001>
#map = affine_map<(d0, d1) -> (0, 0, 0)>
#map1 = affine_map<(d0, d1) -> (0, 0, 0, 0)>
module attributes {stable_mosaic.version = 14 : i64} {
  func.func @_sc_scatter_body(%arg0: i32, %arg1: i32, %arg2: memref<2x10240x128xf32, #tpu.memory_space<hbm>>, %arg3: memref<2x2x1280x128xi32, #tpu.memory_space<hbm>>, %arg4: memref<2x10240x128xf32, #tpu.memory_space<hbm>>, %arg5: memref<40x128xi32, #tpu.memory_space<vmem>>, %arg6: memref<40x128xi32, #tpu.memory_space<vmem>>, %arg7: memref<128x128xf32, #tpu.memory_space<vmem>>, %arg8: memref<128x128xf32, #tpu.memory_space<vmem>>, %arg9: memref<10240x128xf32, #tpu.memory_space<vmem_shared>>, %arg10: memref<!tpu.dma_semaphore, #tpu.memory_space<semaphore_mem>>, %arg11: memref<!tpu.dma_semaphore, #tpu.memory_space<semaphore_mem>>) attributes {dimension_semantics = [#tpu.dimension_semantics<core_parallel>, #tpu.dimension_semantics<subcore_parallel>], iteration_bounds = array<i64: 2, 16>, scalar_prefetch = 0 : i64, scratch_operands = 7 : i64, tpu.core_type = #tpu.core_type<sc_vector_subcore>, window_params = [{transform_indices = #map}, {transform_indices = #map1}, {transform_indices = #map}]} {
    %mul3A = arith.constant 80 : i32
    %mul3A_0 = arith.muli %arg1, %mul3A : i32
    %scan3A = arith.constant 0 : i32
    %scan3A_1 = arith.constant 1024 : i32
    %scan3A_2 = arith.addi %scan3A, %scan3A_1 : i32
    %scan3A_3 = arith.constant 1 : i32
    scf.for %scan3A_53 = %scan3A to %scan3A_2 step %scan3A_3  : i32 {
      %jit3A = arith.constant 8 : i32
      %div3A = arith.divsi %scan3A_53, %jit3A : i32
      %sign3A = arith.constant 0 : i32
      %sign3A_54 = arith.cmpi sgt, %scan3A_53, %sign3A : i32
      %sign3A_55 = arith.extui %sign3A_54 : i1 to i32
      %sign3A_56 = arith.constant 0 : i32
      %sign3A_57 = arith.cmpi slt, %scan3A_53, %sign3A_56 : i32
      %sign3A_58 = arith.extui %sign3A_57 : i1 to i32
      %sign3A_59 = arith.subi %sign3A_55, %sign3A_58 : i32
      %sign3A_60 = arith.constant 0 : i32
      %sign3A_61 = arith.cmpi sgt, %jit3A, %sign3A_60 : i32
      %sign3A_62 = arith.extui %sign3A_61 : i1 to i32
      %sign3A_63 = arith.constant 0 : i32
      %sign3A_64 = arith.cmpi slt, %jit3A, %sign3A_63 : i32
      %sign3A_65 = arith.extui %sign3A_64 : i1 to i32
      %sign3A_66 = arith.subi %sign3A_62, %sign3A_65 : i32
      %ne3A = arith.cmpi ne, %sign3A_59, %sign3A_66 : i32
      %rem3A = arith.remsi %scan3A_53, %jit3A : i32
      %ne3A_67 = arith.constant 0 : i32
      %ne3A_68 = arith.cmpi ne, %rem3A, %ne3A_67 : i32
      %and3A = arith.andi %ne3A, %ne3A_68 : i1
      %sub3A = arith.constant 1 : i32
      %sub3A_69 = arith.subi %div3A, %sub3A : i32
      %select_n3A = arith.select %and3A, %sub3A_69, %div3A : i32
      %jit3A_70 = arith.constant 8 : i32
      %eq3A = arith.constant 0 : i32
      %eq3A_71 = arith.cmpi eq, %jit3A_70, %eq3A : i32
      %jit3A_72 = arith.constant 1 : i32
      %select_n3A_73 = arith.select %eq3A_71, %jit3A_72, %jit3A_70 : i32
      %rem3A_74 = arith.remsi %scan3A_53, %select_n3A_73 : i32
      %ne3A_75 = arith.constant 0 : i32
      %ne3A_76 = arith.cmpi ne, %rem3A_74, %ne3A_75 : i32
      %lt3A_77 = arith.constant 0 : i32
      %lt3A_78 = arith.cmpi slt, %rem3A_74, %lt3A_77 : i32
      %lt3A_79 = arith.constant 0 : i32
      %lt3A_80 = arith.cmpi slt, %select_n3A_73, %lt3A_79 : i32
      %ne3A_81 = arith.xori %lt3A_78, %lt3A_80 : i1
      %and3A_82 = arith.andi %ne3A_81, %ne3A_76 : i1
      %add3A_83 = arith.addi %rem3A_74, %select_n3A_73 : i32
      %select_n3A_84 = arith.select %and3A_82, %add3A_83, %rem3A_74 : i32
      %broadcast_in_dim3A = arith.constant 0.000000e+00 : f32
      %broadcast_in_dim3A_85 = vector.broadcast %broadcast_in_dim3A : f32 to vector<16xf32>
      %mul3A_86 = arith.constant 16 : i32
      %mul3A_87 = arith.muli %select_n3A_84, %mul3A_86 : i32
      %swap3A = arith.index_cast %select_n3A : i32 to index
      %swap3A_88 = arith.index_cast %mul3A_87 : i32 to index
      %swap3A_89 = tpu.vector_load %arg7[%swap3A, %swap3A_88] {strides = array<i32>} : memref<128x128xf32, #tpu.memory_space<vmem>>, vector<16xf32>,
      tpu.vector_store %arg7[%swap3A, %swap3A_88], %broadcast_in_dim3A_85 {strides = array<i32>} : memref<128x128xf32, #tpu.memory_space<vmem>>, vector<16xf32>,
    }
    %scan3A_4 = arith.constant 1024 : i32
    %mul3A_5 = arith.constant 640 : i32
    %mul3A_6 = arith.muli %arg1, %mul3A_5 : i32
    %add3A = arith.constant 0 : i32
    %add3A_7 = arith.addi %mul3A_6, %add3A : i32
    "tpu.region"() ({
      %run_scoped3A_53 = tpu.sem_alloc : memref<!tpu.dma_semaphore, #tpu.memory_space<semaphore_mem>>
      %dma_start3A = arith.constant 0 : i32
      %dma_start3A_54 = tpu.memref_slice %arg9[%add3A_7, %dma_start3A] : memref<10240x128xf32, #tpu.memory_space<vmem_shared>> -> memref<128x128xf32, #tpu.memory_space<vmem_shared>>
      %dma_start3A_55 = arith.constant 0 : i32
      %dma_start3A_56 = tpu.memref_slice %arg9[%add3A_7, %dma_start3A_55] : memref<10240x128xf32, #tpu.memory_space<vmem_shared>> -> memref<128x128xf32, #tpu.memory_space<vmem_shared>>
      tpu.enqueue_dma source(%arg7 : memref<128x128xf32, #tpu.memory_space<vmem>>) target(%dma_start3A_56 : memref<128x128xf32, #tpu.memory_space<vmem_shared>>) target_semaphore(%run_scoped3A_53 : memref<!tpu.dma_semaphore, #tpu.memory_space<semaphore_mem>>)
      %dma_wait3A = arith.constant 0 : i32
      %dma_wait3A_57 = tpu.memref_slice %arg9[%add3A_7, %dma_wait3A] : memref<10240x128xf32, #tpu.memory_space<vmem_shared>> -> memref<128x128xf32, #tpu.memory_space<vmem_shared>>
      %dma_wait3A_58 = arith.constant 0 : i32
      %dma_wait3A_59 = tpu.memref_slice %arg9[%add3A_7, %dma_wait3A_58] : memref<10240x128xf32, #tpu.memory_space<vmem_shared>> -> memref<128x128xf32, #tpu.memory_space<vmem_shared>>
      tpu.wait_dma2 semaphore(%run_scoped3A_53 : memref<!tpu.dma_semaphore, #tpu.memory_space<semaphore_mem>>) src(%arg7 : memref<128x128xf32, #tpu.memory_space<vmem>>) dst(%dma_wait3A_59 : memref<128x128xf32, #tpu.memory_space<vmem_shared>>)
      tpu.yield
    }) : () -> ()
    %mul3A_8 = arith.constant 640 : i32
    %mul3A_9 = arith.muli %arg1, %mul3A_8 : i32
    %add3A_10 = arith.constant 128 : i32
    %add3A_11 = arith.addi %mul3A_9, %add3A_10 : i32
    "tpu.region"() ({
      %run_scoped3A_53 = tpu.sem_alloc : memref<!tpu.dma_semaphore, #tpu.memory_space<semaphore_mem>>
      %dma_start3A = arith.constant 0 : i32
      %dma_start3A_54 = tpu.memref_slice %arg9[%add3A_11, %dma_start3A] : memref<10240x128xf32, #tpu.memory_space<vmem_shared>> -> memref<128x128xf32, #tpu.memory_space<vmem_shared>>
      %dma_start3A_55 = arith.constant 0 : i32
      %dma_start3A_56 = tpu.memref_slice %arg9[%add3A_11, %dma_start3A_55] : memref<10240x128xf32, #tpu.memory_space<vmem_shared>> -> memref<128x128xf32, #tpu.memory_space<vmem_shared>>
      tpu.enqueue_dma source(%arg7 : memref<128x128xf32, #tpu.memory_space<vmem>>) target(%dma_start3A_56 : memref<128x128xf32, #tpu.memory_space<vmem_shared>>) target_semaphore(%run_scoped3A_53 : memref<!tpu.dma_semaphore, #tpu.memory_space<semaphore_mem>>)
      %dma_wait3A = arith.constant 0 : i32
      %dma_wait3A_57 = tpu.memref_slice %arg9[%add3A_11, %dma_wait3A] : memref<10240x128xf32, #tpu.memory_space<vmem_shared>> -> memref<128x128xf32, #tpu.memory_space<vmem_shared>>
      %dma_wait3A_58 = arith.constant 0 : i32
      %dma_wait3A_59 = tpu.memref_slice %arg9[%add3A_11, %dma_wait3A_58] : memref<10240x128xf32, #tpu.memory_space<vmem_shared>> -> memref<128x128xf32, #tpu.memory_space<vmem_shared>>
      tpu.wait_dma2 semaphore(%run_scoped3A_53 : memref<!tpu.dma_semaphore, #tpu.memory_space<semaphore_mem>>) src(%arg7 : memref<128x128xf32, #tpu.memory_space<vmem>>) dst(%dma_wait3A_59 : memref<128x128xf32, #tpu.memory_space<vmem_shared>>)
      tpu.yield
    }) : () -> ()
    %mul3A_12 = arith.constant 640 : i32
    %mul3A_13 = arith.muli %arg1, %mul3A_12 : i32
    %add3A_14 = arith.constant 256 : i32
    %add3A_15 = arith.addi %mul3A_13, %add3A_14 : i32
    "tpu.region"() ({
      %run_scoped3A_53 = tpu.sem_alloc : memref<!tpu.dma_semaphore, #tpu.memory_space<semaphore_mem>>
      %dma_start3A = arith.constant 0 : i32
      %dma_start3A_54 = tpu.memref_slice %arg9[%add3A_15, %dma_start3A] : memref<10240x128xf32, #tpu.memory_space<vmem_shared>> -> memref<128x128xf32, #tpu.memory_space<vmem_shared>>
      %dma_start3A_55 = arith.constant 0 : i32
      %dma_start3A_56 = tpu.memref_slice %arg9[%add3A_15, %dma_start3A_55] : memref<10240x128xf32, #tpu.memory_space<vmem_shared>> -> memref<128x128xf32, #tpu.memory_space<vmem_shared>>
      tpu.enqueue_dma source(%arg7 : memref<128x128xf32, #tpu.memory_space<vmem>>) target(%dma_start3A_56 : memref<128x128xf32, #tpu.memory_space<vmem_shared>>) target_semaphore(%run_scoped3A_53 : memref<!tpu.dma_semaphore, #tpu.memory_space<semaphore_mem>>)
      %dma_wait3A = arith.constant 0 : i32
      %dma_wait3A_57 = tpu.memref_slice %arg9[%add3A_15, %dma_wait3A] : memref<10240x128xf32, #tpu.memory_space<vmem_shared>> -> memref<128x128xf32, #tpu.memory_space<vmem_shared>>
      %dma_wait3A_58 = arith.constant 0 : i32
      %dma_wait3A_59 = tpu.memref_slice %arg9[%add3A_15, %dma_wait3A_58] : memref<10240x128xf32, #tpu.memory_space<vmem_shared>> -> memref<128x128xf32, #tpu.memory_space<vmem_shared>>
      tpu.wait_dma2 semaphore(%run_scoped3A_53 : memref<!tpu.dma_semaphore, #tpu.memory_space<semaphore_mem>>) src(%arg7 : memref<128x128xf32, #tpu.memory_space<vmem>>) dst(%dma_wait3A_59 : memref<128x128xf32, #tpu.memory_space<vmem_shared>>)
      tpu.yield
    }) : () -> ()
    %mul3A_16 = arith.constant 640 : i32
    %mul3A_17 = arith.muli %arg1, %mul3A_16 : i32
    %add3A_18 = arith.constant 384 : i32
    %add3A_19 = arith.addi %mul3A_17, %add3A_18 : i32
    "tpu.region"() ({
      %run_scoped3A_53 = tpu.sem_alloc : memref<!tpu.dma_semaphore, #tpu.memory_space<semaphore_mem>>
      %dma_start3A = arith.constant 0 : i32
      %dma_start3A_54 = tpu.memref_slice %arg9[%add3A_19, %dma_start3A] : memref<10240x128xf32, #tpu.memory_space<vmem_shared>> -> memref<128x128xf32, #tpu.memory_space<vmem_shared>>
      %dma_start3A_55 = arith.constant 0 : i32
      %dma_start3A_56 = tpu.memref_slice %arg9[%add3A_19, %dma_start3A_55] : memref<10240x128xf32, #tpu.memory_space<vmem_shared>> -> memref<128x128xf32, #tpu.memory_space<vmem_shared>>
      tpu.enqueue_dma source(%arg7 : memref<128x128xf32, #tpu.memory_space<vmem>>) target(%dma_start3A_56 : memref<128x128xf32, #tpu.memory_space<vmem_shared>>) target_semaphore(%run_scoped3A_53 : memref<!tpu.dma_semaphore, #tpu.memory_space<semaphore_mem>>)
      %dma_wait3A = arith.constant 0 : i32
      %dma_wait3A_57 = tpu.memref_slice %arg9[%add3A_19, %dma_wait3A] : memref<10240x128xf32, #tpu.memory_space<vmem_shared>> -> memref<128x128xf32, #tpu.memory_space<vmem_shared>>
      %dma_wait3A_58 = arith.constant 0 : i32
      %dma_wait3A_59 = tpu.memref_slice %arg9[%add3A_19, %dma_wait3A_58] : memref<10240x128xf32, #tpu.memory_space<vmem_shared>> -> memref<128x128xf32, #tpu.memory_space<vmem_shared>>
      tpu.wait_dma2 semaphore(%run_scoped3A_53 : memref<!tpu.dma_semaphore, #tpu.memory_space<semaphore_mem>>) src(%arg7 : memref<128x128xf32, #tpu.memory_space<vmem>>) dst(%dma_wait3A_59 : memref<128x128xf32, #tpu.memory_space<vmem_shared>>)
      tpu.yield
    }) : () -> ()
    %mul3A_20 = arith.constant 640 : i32
    %mul3A_21 = arith.muli %arg1, %mul3A_20 : i32
    %add3A_22 = arith.constant 512 : i32
    %add3A_23 = arith.addi %mul3A_21, %add3A_22 : i32
    "tpu.region"() ({
      %run_scoped3A_53 = tpu.sem_alloc : memref<!tpu.dma_semaphore, #tpu.memory_space<semaphore_mem>>
      %dma_start3A = arith.constant 0 : i32
      %dma_start3A_54 = tpu.memref_slice %arg9[%add3A_23, %dma_start3A] : memref<10240x128xf32, #tpu.memory_space<vmem_shared>> -> memref<128x128xf32, #tpu.memory_space<vmem_shared>>
      %dma_start3A_55 = arith.constant 0 : i32
      %dma_start3A_56 = tpu.memref_slice %arg9[%add3A_23, %dma_start3A_55] : memref<10240x128xf32, #tpu.memory_space<vmem_shared>> -> memref<128x128xf32, #tpu.memory_space<vmem_shared>>
      tpu.enqueue_dma source(%arg7 : memref<128x128xf32, #tpu.memory_space<vmem>>) target(%dma_start3A_56 : memref<128x128xf32, #tpu.memory_space<vmem_shared>>) target_semaphore(%run_scoped3A_53 : memref<!tpu.dma_semaphore, #tpu.memory_space<semaphore_mem>>)
      %dma_wait3A = arith.constant 0 : i32
      %dma_wait3A_57 = tpu.memref_slice %arg9[%add3A_23, %dma_wait3A] : memref<10240x128xf32, #tpu.memory_space<vmem_shared>> -> memref<128x128xf32, #tpu.memory_space<vmem_shared>>
      %dma_wait3A_58 = arith.constant 0 : i32
      %dma_wait3A_59 = tpu.memref_slice %arg9[%add3A_23, %dma_wait3A_58] : memref<10240x128xf32, #tpu.memory_space<vmem_shared>> -> memref<128x128xf32, #tpu.memory_space<vmem_shared>>
      tpu.wait_dma2 semaphore(%run_scoped3A_53 : memref<!tpu.dma_semaphore, #tpu.memory_space<semaphore_mem>>) src(%arg7 : memref<128x128xf32, #tpu.memory_space<vmem>>) dst(%dma_wait3A_59 : memref<128x128xf32, #tpu.memory_space<vmem_shared>>)
      tpu.yield
    }) : () -> ()
    %barrier3A = arith.constant 0 : index
    tpu.barrier barrier_id(%barrier3A)
    %add3A_24 = arith.constant 0 : i32
    %add3A_25 = arith.addi %mul3A_0, %add3A_24 : i32
    %run_scoped3A = arith.constant 0 : i32
    "tpu.region"() ({
      %run_scoped3A_53 = tpu.sem_alloc : memref<!tpu.dma_semaphore, #tpu.memory_space<semaphore_mem>>
      %dma_start3A = arith.constant 0 : i32
      %dma_start3A_54 = tpu.memref_slice %arg3[%arg0, %run_scoped3A, %add3A_25, %dma_start3A] : memref<2x2x1280x128xi32, #tpu.memory_space<hbm>> -> memref<1x1x40x128xi32, #tpu.memory_space<hbm>>
      %dma_start3A_55 = tpu.memref_squeeze %dma_start3A_54 : memref<1x1x40x128xi32, #tpu.memory_space<hbm>> -> memref<40x128xi32, #tpu.memory_space<hbm>>
      %dma_start3A_56 = arith.constant 0 : i32
      %dma_start3A_57 = tpu.memref_slice %arg3[%arg0, %run_scoped3A, %add3A_25, %dma_start3A_56] : memref<2x2x1280x128xi32, #tpu.memory_space<hbm>> -> memref<1x1x40x128xi32, #tpu.memory_space<hbm>>
      %dma_start3A_58 = tpu.memref_squeeze %dma_start3A_57 : memref<1x1x40x128xi32, #tpu.memory_space<hbm>> -> memref<40x128xi32, #tpu.memory_space<hbm>>
      tpu.enqueue_dma source(%dma_start3A_58 : memref<40x128xi32, #tpu.memory_space<hbm>>) target(%arg5 : memref<40x128xi32, #tpu.memory_space<vmem>>) target_semaphore(%run_scoped3A_53 : memref<!tpu.dma_semaphore, #tpu.memory_space<semaphore_mem>>)
      %dma_wait3A = arith.constant 0 : i32
      %dma_wait3A_59 = tpu.memref_slice %arg3[%arg0, %run_scoped3A, %add3A_25, %dma_wait3A] : memref<2x2x1280x128xi32, #tpu.memory_space<hbm>> -> memref<1x1x40x128xi32, #tpu.memory_space<hbm>>
      %dma_wait3A_60 = tpu.memref_squeeze %dma_wait3A_59 : memref<1x1x40x128xi32, #tpu.memory_space<hbm>> -> memref<40x128xi32, #tpu.memory_space<hbm>>
      %dma_wait3A_61 = arith.constant 0 : i32
      %dma_wait3A_62 = tpu.memref_slice %arg3[%arg0, %run_scoped3A, %add3A_25, %dma_wait3A_61] : memref<2x2x1280x128xi32, #tpu.memory_space<hbm>> -> memref<1x1x40x128xi32, #tpu.memory_space<hbm>>
      %dma_wait3A_63 = tpu.memref_squeeze %dma_wait3A_62 : memref<1x1x40x128xi32, #tpu.memory_space<hbm>> -> memref<40x128xi32, #tpu.memory_space<hbm>>
      tpu.wait_dma2 semaphore(%run_scoped3A_53 : memref<!tpu.dma_semaphore, #tpu.memory_space<semaphore_mem>>) src(%dma_wait3A_63 : memref<40x128xi32, #tpu.memory_space<hbm>>) dst(%arg5 : memref<40x128xi32, #tpu.memory_space<vmem>>)
      tpu.yield
    }) : () -> ()
    %run_scoped3A_26 = arith.constant 1 : i32
    "tpu.region"() ({
      %run_scoped3A_53 = tpu.sem_alloc : memref<!tpu.dma_semaphore, #tpu.memory_space<semaphore_mem>>
      %dma_start3A = arith.constant 0 : i32
      %dma_start3A_54 = tpu.memref_slice %arg3[%arg0, %run_scoped3A_26, %add3A_25, %dma_start3A] : memref<2x2x1280x128xi32, #tpu.memory_space<hbm>> -> memref<1x1x40x128xi32, #tpu.memory_space<hbm>>
      %dma_start3A_55 = tpu.memref_squeeze %dma_start3A_54 : memref<1x1x40x128xi32, #tpu.memory_space<hbm>> -> memref<40x128xi32, #tpu.memory_space<hbm>>
      %dma_start3A_56 = arith.constant 0 : i32
      %dma_start3A_57 = tpu.memref_slice %arg3[%arg0, %run_scoped3A_26, %add3A_25, %dma_start3A_56] : memref<2x2x1280x128xi32, #tpu.memory_space<hbm>> -> memref<1x1x40x128xi32, #tpu.memory_space<hbm>>
      %dma_start3A_58 = tpu.memref_squeeze %dma_start3A_57 : memref<1x1x40x128xi32, #tpu.memory_space<hbm>> -> memref<40x128xi32, #tpu.memory_space<hbm>>
      tpu.enqueue_dma source(%dma_start3A_58 : memref<40x128xi32, #tpu.memory_space<hbm>>) target(%arg6 : memref<40x128xi32, #tpu.memory_space<vmem>>) target_semaphore(%run_scoped3A_53 : memref<!tpu.dma_semaphore, #tpu.memory_space<semaphore_mem>>)
      %dma_wait3A = arith.constant 0 : i32
      %dma_wait3A_59 = tpu.memref_slice %arg3[%arg0, %run_scoped3A_26, %add3A_25, %dma_wait3A] : memref<2x2x1280x128xi32, #tpu.memory_space<hbm>> -> memref<1x1x40x128xi32, #tpu.memory_space<hbm>>
      %dma_wait3A_60 = tpu.memref_squeeze %dma_wait3A_59 : memref<1x1x40x128xi32, #tpu.memory_space<hbm>> -> memref<40x128xi32, #tpu.memory_space<hbm>>
      %dma_wait3A_61 = arith.constant 0 : i32
      %dma_wait3A_62 = tpu.memref_slice %arg3[%arg0, %run_scoped3A_26, %add3A_25, %dma_wait3A_61] : memref<2x2x1280x128xi32, #tpu.memory_space<hbm>> -> memref<1x1x40x128xi32, #tpu.memory_space<hbm>>
      %dma_wait3A_63 = tpu.memref_squeeze %dma_wait3A_62 : memref<1x1x40x128xi32, #tpu.memory_space<hbm>> -> memref<40x128xi32, #tpu.memory_space<hbm>>
      tpu.wait_dma2 semaphore(%run_scoped3A_53 : memref<!tpu.dma_semaphore, #tpu.memory_space<semaphore_mem>>) src(%dma_wait3A_63 : memref<40x128xi32, #tpu.memory_space<hbm>>) dst(%arg6 : memref<40x128xi32, #tpu.memory_space<vmem>>)
      tpu.yield
    }) : () -> ()
    %lt3A = arith.constant 1250 : i32
    %lt3A_27 = arith.cmpi slt, %add3A_25, %lt3A : i32
    %convert_element_type3A = arith.extui %lt3A_27 : i1 to i32
    %cond3A = arith.constant 0 : i32
    %cond3A_28 = arith.cmpi ne, %convert_element_type3A, %cond3A : i32
    scf.if %cond3A_28 {
      %dma_start3A = arith.constant 0 : i32
      %dma_start3A_53 = arith.constant 0 : i32
      %dma_start3A_54 = tpu.memref_slice %arg5[%dma_start3A, %dma_start3A_53] : memref<40x128xi32, #tpu.memory_space<vmem>> -> memref<1x128xi32, #tpu.memory_space<vmem>>
      %dma_start3A_55 = tpu.memref_squeeze %dma_start3A_54 : memref<1x128xi32, #tpu.memory_space<vmem>> -> memref<128xi32, #tpu.memory_space<vmem>>
      %dma_start3A_56 = arith.constant 0 : i32
      %dma_start3A_57 = arith.constant 0 : i32
      %dma_start3A_58 = tpu.memref_slice %arg2[%arg0, %dma_start3A_56, %dma_start3A_57] : memref<2x10240x128xf32, #tpu.memory_space<hbm>> -> memref<1x10240x128xf32, #tpu.memory_space<hbm>>
      %dma_start3A_59 = tpu.memref_squeeze %dma_start3A_58 : memref<1x10240x128xf32, #tpu.memory_space<hbm>> -> memref<10240x128xf32, #tpu.memory_space<hbm>>
      %dma_start3A_60 = arith.constant 0 : i32
      %dma_start3A_61 = arith.constant 0 : i32
      %dma_start3A_62 = tpu.memref_slice %dma_start3A_59[%dma_start3A_60, %dma_start3A_61] : memref<10240x128xf32, #tpu.memory_space<hbm>> -> memref<10240x128xf32, #tpu.memory_space<hbm>>
      tpu.enqueue_indirect_dma source(%dma_start3A_62 : memref<10240x128xf32, #tpu.memory_space<hbm>>) target(%arg7 : memref<128x128xf32, #tpu.memory_space<vmem>>) offsets(%dma_start3A_55 : memref<128xi32, #tpu.memory_space<vmem>>) semaphore(%arg10 : memref<!tpu.dma_semaphore, #tpu.memory_space<semaphore_mem>>)
    } else {
    }
    %scan3A_29 = arith.constant 0 : i32
    %scan3A_30 = arith.constant 20 : i32
    %scan3A_31 = arith.addi %scan3A_29, %scan3A_30 : i32
    %scan3A_32 = arith.constant 1 : i32
    scf.for %scan3A_53 = %scan3A_29 to %scan3A_31 step %scan3A_32  : i32 {
      %mul3A_54 = arith.constant 2 : i32
      %mul3A_55 = arith.muli %mul3A_54, %scan3A_53 : i32
      %add3A_56 = arith.constant 0 : i32
      %add3A_57 = arith.addi %mul3A_55, %add3A_56 : i32
      %add3A_58 = arith.addi %add3A_25, %add3A_57 : i32
      %lt3A_59 = arith.constant 1250 : i32
      %lt3A_60 = arith.cmpi slt, %add3A_58, %lt3A_59 : i32
      %convert_element_type3A_61 = arith.extui %lt3A_60 : i1 to i32
      %cond3A_62 = arith.constant 0 : i32
      %cond3A_63 = arith.cmpi ne, %convert_element_type3A_61, %cond3A_62 : i32
      scf.if %cond3A_63 {
        %dma_wait3A = arith.constant 0 : i32
        %dma_wait3A_107 = tpu.memref_slice %arg5[%add3A_57, %dma_wait3A] : memref<40x128xi32, #tpu.memory_space<vmem>> -> memref<1x128xi32, #tpu.memory_space<vmem>>
        %dma_wait3A_108 = tpu.memref_squeeze %dma_wait3A_107 : memref<1x128xi32, #tpu.memory_space<vmem>> -> memref<128xi32, #tpu.memory_space<vmem>>
        %dma_wait3A_109 = arith.constant 0 : i32
        %dma_wait3A_110 = arith.constant 0 : i32
        %dma_wait3A_111 = tpu.memref_slice %arg2[%arg0, %dma_wait3A_109, %dma_wait3A_110] : memref<2x10240x128xf32, #tpu.memory_space<hbm>> -> memref<1x10240x128xf32, #tpu.memory_space<hbm>>
        %dma_wait3A_112 = tpu.memref_squeeze %dma_wait3A_111 : memref<1x10240x128xf32, #tpu.memory_space<hbm>> -> memref<10240x128xf32, #tpu.memory_space<hbm>>
        %dma_wait3A_113 = arith.constant 0 : i32
        %dma_wait3A_114 = arith.constant 0 : i32
        %dma_wait3A_115 = tpu.memref_slice %dma_wait3A_112[%dma_wait3A_113, %dma_wait3A_114] : memref<10240x128xf32, #tpu.memory_space<hbm>> -> memref<10240x128xf32, #tpu.memory_space<hbm>>
        tpu.wait_indirect_dma semaphore(%arg10 : memref<!tpu.dma_semaphore, #tpu.memory_space<semaphore_mem>>) src(%dma_wait3A_115 : memref<10240x128xf32, #tpu.memory_space<hbm>>) dst(%arg7 : memref<128x128xf32, #tpu.memory_space<vmem>>)
      } else {
      }
      %add3A_64 = arith.constant 1 : i32
      %add3A_65 = arith.addi %add3A_58, %add3A_64 : i32
      %lt3A_66 = arith.constant 1250 : i32
      %lt3A_67 = arith.cmpi slt, %add3A_65, %lt3A_66 : i32
      %add3A_68 = arith.constant 1 : i32
      %add3A_69 = arith.addi %add3A_57, %add3A_68 : i32
      %lt3A_70 = arith.constant 40 : i32
      %lt3A_71 = arith.cmpi slt, %add3A_69, %lt3A_70 : i32
      %and3A = arith.andi %lt3A_67, %lt3A_71 : i1
      %convert_element_type3A_72 = arith.extui %and3A : i1 to i32
      %cond3A_73 = arith.constant 0 : i32
      %cond3A_74 = arith.cmpi ne, %convert_element_type3A_72, %cond3A_73 : i32
      scf.if %cond3A_74 {
        %add3A_107 = arith.constant 1 : i32
        %add3A_108 = arith.addi %add3A_57, %add3A_107 : i32
        %dma_start3A = arith.constant 0 : i32
        %dma_start3A_109 = tpu.memref_slice %arg5[%add3A_108, %dma_start3A] : memref<40x128xi32, #tpu.memory_space<vmem>> -> memref<1x128xi32, #tpu.memory_space<vmem>>
        %dma_start3A_110 = tpu.memref_squeeze %dma_start3A_109 : memref<1x128xi32, #tpu.memory_space<vmem>> -> memref<128xi32, #tpu.memory_space<vmem>>
        %dma_start3A_111 = arith.constant 0 : i32
        %dma_start3A_112 = arith.constant 0 : i32
        %dma_start3A_113 = tpu.memref_slice %arg2[%arg0, %dma_start3A_111, %dma_start3A_112] : memref<2x10240x128xf32, #tpu.memory_space<hbm>> -> memref<1x10240x128xf32, #tpu.memory_space<hbm>>
        %dma_start3A_114 = tpu.memref_squeeze %dma_start3A_113 : memref<1x10240x128xf32, #tpu.memory_space<hbm>> -> memref<10240x128xf32, #tpu.memory_space<hbm>>
        %dma_start3A_115 = arith.constant 0 : i32
        %dma_start3A_116 = arith.constant 0 : i32
        %dma_start3A_117 = tpu.memref_slice %dma_start3A_114[%dma_start3A_115, %dma_start3A_116] : memref<10240x128xf32, #tpu.memory_space<hbm>> -> memref<10240x128xf32, #tpu.memory_space<hbm>>
        tpu.enqueue_indirect_dma source(%dma_start3A_117 : memref<10240x128xf32, #tpu.memory_space<hbm>>) target(%arg8 : memref<128x128xf32, #tpu.memory_space<vmem>>) offsets(%dma_start3A_110 : memref<128xi32, #tpu.memory_space<vmem>>) semaphore(%arg11 : memref<!tpu.dma_semaphore, #tpu.memory_space<semaphore_mem>>)
      } else {
      }
      %lt3A_75 = arith.constant 1250 : i32
      %lt3A_76 = arith.cmpi slt, %add3A_58, %lt3A_75 : i32
      %convert_element_type3A_77 = arith.extui %lt3A_76 : i1 to i32
      %cond3A_78 = arith.constant 0 : i32
      %cond3A_79 = arith.cmpi ne, %convert_element_type3A_77, %cond3A_78 : i32
      scf.if %cond3A_79 {
        "tpu.region"() ({
          %run_scoped3A_107 = tpu.sem_alloc : memref<!tpu.dma_semaphore, #tpu.memory_space<semaphore_mem>>
          %dma_start3A = arith.constant 0 : i32
          %dma_start3A_108 = tpu.memref_slice %arg6[%add3A_57, %dma_start3A] : memref<40x128xi32, #tpu.memory_space<vmem>> -> memref<1x128xi32, #tpu.memory_space<vmem>>
          %dma_start3A_109 = tpu.memref_squeeze %dma_start3A_108 : memref<1x128xi32, #tpu.memory_space<vmem>> -> memref<128xi32, #tpu.memory_space<vmem>>
          %dma_start3A_110 = arith.constant 0 : i32
          %dma_start3A_111 = arith.constant 0 : i32
          %dma_start3A_112 = tpu.memref_slice %arg9[%dma_start3A_110, %dma_start3A_111] : memref<10240x128xf32, #tpu.memory_space<vmem_shared>> -> memref<10240x128xf32, #tpu.memory_space<vmem_shared>>
          tpu.enqueue_indirect_dma source(%arg7 : memref<128x128xf32, #tpu.memory_space<vmem>>) target(%dma_start3A_112 : memref<10240x128xf32, #tpu.memory_space<vmem_shared>>) offsets(%dma_start3A_109 : memref<128xi32, #tpu.memory_space<vmem>>) semaphore(%run_scoped3A_107 : memref<!tpu.dma_semaphore, #tpu.memory_space<semaphore_mem>>) {add = true}
          %dma_wait3A = arith.constant 0 : i32
          %dma_wait3A_113 = tpu.memref_slice %arg6[%add3A_57, %dma_wait3A] : memref<40x128xi32, #tpu.memory_space<vmem>> -> memref<1x128xi32, #tpu.memory_space<vmem>>
          %dma_wait3A_114 = tpu.memref_squeeze %dma_wait3A_113 : memref<1x128xi32, #tpu.memory_space<vmem>> -> memref<128xi32, #tpu.memory_space<vmem>>
          %dma_wait3A_115 = arith.constant 0 : i32
          %dma_wait3A_116 = arith.constant 0 : i32
          %dma_wait3A_117 = tpu.memref_slice %arg9[%dma_wait3A_115, %dma_wait3A_116] : memref<10240x128xf32, #tpu.memory_space<vmem_shared>> -> memref<10240x128xf32, #tpu.memory_space<vmem_shared>>
          tpu.wait_indirect_dma semaphore(%run_scoped3A_107 : memref<!tpu.dma_semaphore, #tpu.memory_space<semaphore_mem>>) src(%arg7 : memref<128x128xf32, #tpu.memory_space<vmem>>) dst(%dma_wait3A_117 : memref<10240x128xf32, #tpu.memory_space<vmem_shared>>)
          tpu.yield
        }) : () -> ()
      } else {
      }
      %mul3A_80 = arith.constant 2 : i32
      %mul3A_81 = arith.muli %mul3A_80, %scan3A_53 : i32
      %add3A_82 = arith.constant 1 : i32
      %add3A_83 = arith.addi %mul3A_81, %add3A_82 : i32
      %add3A_84 = arith.addi %add3A_25, %add3A_83 : i32
      %lt3A_85 = arith.constant 1250 : i32
      %lt3A_86 = arith.cmpi slt, %add3A_84, %lt3A_85 : i32
      %convert_element_type3A_87 = arith.extui %lt3A_86 : i1 to i32
      %cond3A_88 = arith.constant 0 : i32
      %cond3A_89 = arith.cmpi ne, %convert_element_type3A_87, %cond3A_88 : i32
      scf.if %cond3A_89 {
        %dma_wait3A = arith.constant 0 : i32
        %dma_wait3A_107 = tpu.memref_slice %arg5[%add3A_83, %dma_wait3A] : memref<40x128xi32, #tpu.memory_space<vmem>> -> memref<1x128xi32, #tpu.memory_space<vmem>>
        %dma_wait3A_108 = tpu.memref_squeeze %dma_wait3A_107 : memref<1x128xi32, #tpu.memory_space<vmem>> -> memref<128xi32, #tpu.memory_space<vmem>>
        %dma_wait3A_109 = arith.constant 0 : i32
        %dma_wait3A_110 = arith.constant 0 : i32
        %dma_wait3A_111 = tpu.memref_slice %arg2[%arg0, %dma_wait3A_109, %dma_wait3A_110] : memref<2x10240x128xf32, #tpu.memory_space<hbm>> -> memref<1x10240x128xf32, #tpu.memory_space<hbm>>
        %dma_wait3A_112 = tpu.memref_squeeze %dma_wait3A_111 : memref<1x10240x128xf32, #tpu.memory_space<hbm>> -> memref<10240x128xf32, #tpu.memory_space<hbm>>
        %dma_wait3A_113 = arith.constant 0 : i32
        %dma_wait3A_114 = arith.constant 0 : i32
        %dma_wait3A_115 = tpu.memref_slice %dma_wait3A_112[%dma_wait3A_113, %dma_wait3A_114] : memref<10240x128xf32, #tpu.memory_space<hbm>> -> memref<10240x128xf32, #tpu.memory_space<hbm>>
        tpu.wait_indirect_dma semaphore(%arg11 : memref<!tpu.dma_semaphore, #tpu.memory_space<semaphore_mem>>) src(%dma_wait3A_115 : memref<10240x128xf32, #tpu.memory_space<hbm>>) dst(%arg8 : memref<128x128xf32, #tpu.memory_space<vmem>>)
      } else {
      }
      %add3A_90 = arith.constant 1 : i32
      %add3A_91 = arith.addi %add3A_84, %add3A_90 : i32
      %lt3A_92 = arith.constant 1250 : i32
      %lt3A_93 = arith.cmpi slt, %add3A_91, %lt3A_92 : i32
      %add3A_94 = arith.constant 1 : i32
      %add3A_95 = arith.addi %add3A_83, %add3A_94 : i32
      %lt3A_96 = arith.constant 40 : i32
      %lt3A_97 = arith.cmpi slt, %add3A_95, %lt3A_96 : i32
      %and3A_98 = arith.andi %lt3A_93, %lt3A_97 : i1
      %convert_element_type3A_99 = arith.extui %and3A_98 : i1 to i32
      %cond3A_100 = arith.constant 0 : i32
      %cond3A_101 = arith.cmpi ne, %convert_element_type3A_99, %cond3A_100 : i32
      scf.if %cond3A_101 {
        %add3A_107 = arith.constant 1 : i32
        %add3A_108 = arith.addi %add3A_83, %add3A_107 : i32
        %dma_start3A = arith.constant 0 : i32
        %dma_start3A_109 = tpu.memref_slice %arg5[%add3A_108, %dma_start3A] : memref<40x128xi32, #tpu.memory_space<vmem>> -> memref<1x128xi32, #tpu.memory_space<vmem>>
        %dma_start3A_110 = tpu.memref_squeeze %dma_start3A_109 : memref<1x128xi32, #tpu.memory_space<vmem>> -> memref<128xi32, #tpu.memory_space<vmem>>
        %dma_start3A_111 = arith.constant 0 : i32
        %dma_start3A_112 = arith.constant 0 : i32
        %dma_start3A_113 = tpu.memref_slice %arg2[%arg0, %dma_start3A_111, %dma_start3A_112] : memref<2x10240x128xf32, #tpu.memory_space<hbm>> -> memref<1x10240x128xf32, #tpu.memory_space<hbm>>
        %dma_start3A_114 = tpu.memref_squeeze %dma_start3A_113 : memref<1x10240x128xf32, #tpu.memory_space<hbm>> -> memref<10240x128xf32, #tpu.memory_space<hbm>>
        %dma_start3A_115 = arith.constant 0 : i32
        %dma_start3A_116 = arith.constant 0 : i32
        %dma_start3A_117 = tpu.memref_slice %dma_start3A_114[%dma_start3A_115, %dma_start3A_116] : memref<10240x128xf32, #tpu.memory_space<hbm>> -> memref<10240x128xf32, #tpu.memory_space<hbm>>
        tpu.enqueue_indirect_dma source(%dma_start3A_117 : memref<10240x128xf32, #tpu.memory_space<hbm>>) target(%arg7 : memref<128x128xf32, #tpu.memory_space<vmem>>) offsets(%dma_start3A_110 : memref<128xi32, #tpu.memory_space<vmem>>) semaphore(%arg10 : memref<!tpu.dma_semaphore, #tpu.memory_space<semaphore_mem>>)
      } else {
      }
      %lt3A_102 = arith.constant 1250 : i32
      %lt3A_103 = arith.cmpi slt, %add3A_84, %lt3A_102 : i32
      %convert_element_type3A_104 = arith.extui %lt3A_103 : i1 to i32
      %cond3A_105 = arith.constant 0 : i32
      %cond3A_106 = arith.cmpi ne, %convert_element_type3A_104, %cond3A_105 : i32
      scf.if %cond3A_106 {
        "tpu.region"() ({
          %run_scoped3A_107 = tpu.sem_alloc : memref<!tpu.dma_semaphore, #tpu.memory_space<semaphore_mem>>
          %dma_start3A = arith.constant 0 : i32
          %dma_start3A_108 = tpu.memref_slice %arg6[%add3A_83, %dma_start3A] : memref<40x128xi32, #tpu.memory_space<vmem>> -> memref<1x128xi32, #tpu.memory_space<vmem>>
          %dma_start3A_109 = tpu.memref_squeeze %dma_start3A_108 : memref<1x128xi32, #tpu.memory_space<vmem>> -> memref<128xi32, #tpu.memory_space<vmem>>
          %dma_start3A_110 = arith.constant 0 : i32
          %dma_start3A_111 = arith.constant 0 : i32
          %dma_start3A_112 = tpu.memref_slice %arg9[%dma_start3A_110, %dma_start3A_111] : memref<10240x128xf32, #tpu.memory_space<vmem_shared>> -> memref<10240x128xf32, #tpu.memory_space<vmem_shared>>
          tpu.enqueue_indirect_dma source(%arg8 : memref<128x128xf32, #tpu.memory_space<vmem>>) target(%dma_start3A_112 : memref<10240x128xf32, #tpu.memory_space<vmem_shared>>) offsets(%dma_start3A_109 : memref<128xi32, #tpu.memory_space<vmem>>) semaphore(%run_scoped3A_107 : memref<!tpu.dma_semaphore, #tpu.memory_space<semaphore_mem>>) {add = true}
          %dma_wait3A = arith.constant 0 : i32
          %dma_wait3A_113 = tpu.memref_slice %arg6[%add3A_83, %dma_wait3A] : memref<40x128xi32, #tpu.memory_space<vmem>> -> memref<1x128xi32, #tpu.memory_space<vmem>>
          %dma_wait3A_114 = tpu.memref_squeeze %dma_wait3A_113 : memref<1x128xi32, #tpu.memory_space<vmem>> -> memref<128xi32, #tpu.memory_space<vmem>>
          %dma_wait3A_115 = arith.constant 0 : i32
          %dma_wait3A_116 = arith.constant 0 : i32
          %dma_wait3A_117 = tpu.memref_slice %arg9[%dma_wait3A_115, %dma_wait3A_116] : memref<10240x128xf32, #tpu.memory_space<vmem_shared>> -> memref<10240x128xf32, #tpu.memory_space<vmem_shared>>
          tpu.wait_indirect_dma semaphore(%run_scoped3A_107 : memref<!tpu.dma_semaphore, #tpu.memory_space<semaphore_mem>>) src(%arg8 : memref<128x128xf32, #tpu.memory_space<vmem>>) dst(%dma_wait3A_117 : memref<10240x128xf32, #tpu.memory_space<vmem_shared>>)
          tpu.yield
        }) : () -> ()
      } else {
      }
    }
    %scan3A_33 = arith.constant 20 : i32
    %add3A_34 = arith.constant 40 : i32
    %add3A_35 = arith.addi %mul3A_0, %add3A_34 : i32
    %run_scoped3A_36 = arith.constant 0 : i32
    "tpu.region"() ({
      %run_scoped3A_53 = tpu.sem_alloc : memref<!tpu.dma_semaphore, #tpu.memory_space<semaphore_mem>>
      %dma_start3A = arith.constant 0 : i32
      %dma_start3A_54 = tpu.memref_slice %arg3[%arg0, %run_scoped3A_36, %add3A_35, %dma_start3A] : memref<2x2x1280x128xi32, #tpu.memory_space<hbm>> -> memref<1x1x40x128xi32, #tpu.memory_space<hbm>>
      %dma_start3A_55 = tpu.memref_squeeze %dma_start3A_54 : memref<1x1x40x128xi32, #tpu.memory_space<hbm>> -> memref<40x128xi32, #tpu.memory_space<hbm>>
      %dma_start3A_56 = arith.constant 0 : i32
      %dma_start3A_57 = tpu.memref_slice %arg3[%arg0, %run_scoped3A_36, %add3A_35, %dma_start3A_56] : memref<2x2x1280x128xi32, #tpu.memory_space<hbm>> -> memref<1x1x40x128xi32, #tpu.memory_space<hbm>>
      %dma_start3A_58 = tpu.memref_squeeze %dma_start3A_57 : memref<1x1x40x128xi32, #tpu.memory_space<hbm>> -> memref<40x128xi32, #tpu.memory_space<hbm>>
      tpu.enqueue_dma source(%dma_start3A_58 : memref<40x128xi32, #tpu.memory_space<hbm>>) target(%arg5 : memref<40x128xi32, #tpu.memory_space<vmem>>) target_semaphore(%run_scoped3A_53 : memref<!tpu.dma_semaphore, #tpu.memory_space<semaphore_mem>>)
      %dma_wait3A = arith.constant 0 : i32
      %dma_wait3A_59 = tpu.memref_slice %arg3[%arg0, %run_scoped3A_36, %add3A_35, %dma_wait3A] : memref<2x2x1280x128xi32, #tpu.memory_space<hbm>> -> memref<1x1x40x128xi32, #tpu.memory_space<hbm>>
      %dma_wait3A_60 = tpu.memref_squeeze %dma_wait3A_59 : memref<1x1x40x128xi32, #tpu.memory_space<hbm>> -> memref<40x128xi32, #tpu.memory_space<hbm>>
      %dma_wait3A_61 = arith.constant 0 : i32
      %dma_wait3A_62 = tpu.memref_slice %arg3[%arg0, %run_scoped3A_36, %add3A_35, %dma_wait3A_61] : memref<2x2x1280x128xi32, #tpu.memory_space<hbm>> -> memref<1x1x40x128xi32, #tpu.memory_space<hbm>>
      %dma_wait3A_63 = tpu.memref_squeeze %dma_wait3A_62 : memref<1x1x40x128xi32, #tpu.memory_space<hbm>> -> memref<40x128xi32, #tpu.memory_space<hbm>>
      tpu.wait_dma2 semaphore(%run_scoped3A_53 : memref<!tpu.dma_semaphore, #tpu.memory_space<semaphore_mem>>) src(%dma_wait3A_63 : memref<40x128xi32, #tpu.memory_space<hbm>>) dst(%arg5 : memref<40x128xi32, #tpu.memory_space<vmem>>)
      tpu.yield
    }) : () -> ()
    %run_scoped3A_37 = arith.constant 1 : i32
    "tpu.region"() ({
      %run_scoped3A_53 = tpu.sem_alloc : memref<!tpu.dma_semaphore, #tpu.memory_space<semaphore_mem>>
      %dma_start3A = arith.constant 0 : i32
      %dma_start3A_54 = tpu.memref_slice %arg3[%arg0, %run_scoped3A_37, %add3A_35, %dma_start3A] : memref<2x2x1280x128xi32, #tpu.memory_space<hbm>> -> memref<1x1x40x128xi32, #tpu.memory_space<hbm>>
      %dma_start3A_55 = tpu.memref_squeeze %dma_start3A_54 : memref<1x1x40x128xi32, #tpu.memory_space<hbm>> -> memref<40x128xi32, #tpu.memory_space<hbm>>
      %dma_start3A_56 = arith.constant 0 : i32
      %dma_start3A_57 = tpu.memref_slice %arg3[%arg0, %run_scoped3A_37, %add3A_35, %dma_start3A_56] : memref<2x2x1280x128xi32, #tpu.memory_space<hbm>> -> memref<1x1x40x128xi32, #tpu.memory_space<hbm>>
      %dma_start3A_58 = tpu.memref_squeeze %dma_start3A_57 : memref<1x1x40x128xi32, #tpu.memory_space<hbm>> -> memref<40x128xi32, #tpu.memory_space<hbm>>
      tpu.enqueue_dma source(%dma_start3A_58 : memref<40x128xi32, #tpu.memory_space<hbm>>) target(%arg6 : memref<40x128xi32, #tpu.memory_space<vmem>>) target_semaphore(%run_scoped3A_53 : memref<!tpu.dma_semaphore, #tpu.memory_space<semaphore_mem>>)
      %dma_wait3A = arith.constant 0 : i32
      %dma_wait3A_59 = tpu.memref_slice %arg3[%arg0, %run_scoped3A_37, %add3A_35, %dma_wait3A] : memref<2x2x1280x128xi32, #tpu.memory_space<hbm>> -> memref<1x1x40x128xi32, #tpu.memory_space<hbm>>
      %dma_wait3A_60 = tpu.memref_squeeze %dma_wait3A_59 : memref<1x1x40x128xi32, #tpu.memory_space<hbm>> -> memref<40x128xi32, #tpu.memory_space<hbm>>
      %dma_wait3A_61 = arith.constant 0 : i32
      %dma_wait3A_62 = tpu.memref_slice %arg3[%arg0, %run_scoped3A_37, %add3A_35, %dma_wait3A_61] : memref<2x2x1280x128xi32, #tpu.memory_space<hbm>> -> memref<1x1x40x128xi32, #tpu.memory_space<hbm>>
      %dma_wait3A_63 = tpu.memref_squeeze %dma_wait3A_62 : memref<1x1x40x128xi32, #tpu.memory_space<hbm>> -> memref<40x128xi32, #tpu.memory_space<hbm>>
      tpu.wait_dma2 semaphore(%run_scoped3A_53 : memref<!tpu.dma_semaphore, #tpu.memory_space<semaphore_mem>>) src(%dma_wait3A_63 : memref<40x128xi32, #tpu.memory_space<hbm>>) dst(%arg6 : memref<40x128xi32, #tpu.memory_space<vmem>>)
      tpu.yield
    }) : () -> ()
    %lt3A_38 = arith.constant 1250 : i32
    %lt3A_39 = arith.cmpi slt, %add3A_35, %lt3A_38 : i32
    %convert_element_type3A_40 = arith.extui %lt3A_39 : i1 to i32
    %cond3A_41 = arith.constant 0 : i32
    %cond3A_42 = arith.cmpi ne, %convert_element_type3A_40, %cond3A_41 : i32
    scf.if %cond3A_42 {
      %dma_start3A = arith.constant 0 : i32
      %dma_start3A_53 = arith.constant 0 : i32
      %dma_start3A_54 = tpu.memref_slice %arg5[%dma_start3A, %dma_start3A_53] : memref<40x128xi32, #tpu.memory_space<vmem>> -> memref<1x128xi32, #tpu.memory_space<vmem>>
      %dma_start3A_55 = tpu.memref_squeeze %dma_start3A_54 : memref<1x128xi32, #tpu.memory_space<vmem>> -> memref<128xi32, #tpu.memory_space<vmem>>
      %dma_start3A_56 = arith.constant 0 : i32
      %dma_start3A_57 = arith.constant 0 : i32
      %dma_start3A_58 = tpu.memref_slice %arg2[%arg0, %dma_start3A_56, %dma_start3A_57] : memref<2x10240x128xf32, #tpu.memory_space<hbm>> -> memref<1x10240x128xf32, #tpu.memory_space<hbm>>
      %dma_start3A_59 = tpu.memref_squeeze %dma_start3A_58 : memref<1x10240x128xf32, #tpu.memory_space<hbm>> -> memref<10240x128xf32, #tpu.memory_space<hbm>>
      %dma_start3A_60 = arith.constant 0 : i32
      %dma_start3A_61 = arith.constant 0 : i32
      %dma_start3A_62 = tpu.memref_slice %dma_start3A_59[%dma_start3A_60, %dma_start3A_61] : memref<10240x128xf32, #tpu.memory_space<hbm>> -> memref<10240x128xf32, #tpu.memory_space<hbm>>
      tpu.enqueue_indirect_dma source(%dma_start3A_62 : memref<10240x128xf32, #tpu.memory_space<hbm>>) target(%arg7 : memref<128x128xf32, #tpu.memory_space<vmem>>) offsets(%dma_start3A_55 : memref<128xi32, #tpu.memory_space<vmem>>) semaphore(%arg10 : memref<!tpu.dma_semaphore, #tpu.memory_space<semaphore_mem>>)
    } else {
    }
    %scan3A_43 = arith.constant 0 : i32
    %scan3A_44 = arith.constant 20 : i32
    %scan3A_45 = arith.addi %scan3A_43, %scan3A_44 : i32
    %scan3A_46 = arith.constant 1 : i32
    scf.for %scan3A_53 = %scan3A_43 to %scan3A_45 step %scan3A_46  : i32 {
      %mul3A_54 = arith.constant 2 : i32
      %mul3A_55 = arith.muli %mul3A_54, %scan3A_53 : i32
      %add3A_56 = arith.constant 0 : i32
      %add3A_57 = arith.addi %mul3A_55, %add3A_56 : i32
      %add3A_58 = arith.addi %add3A_35, %add3A_57 : i32
      %lt3A_59 = arith.constant 1250 : i32
      %lt3A_60 = arith.cmpi slt, %add3A_58, %lt3A_59 : i32
      %convert_element_type3A_61 = arith.extui %lt3A_60 : i1 to i32
      %cond3A_62 = arith.constant 0 : i32
      %cond3A_63 = arith.cmpi ne, %convert_element_type3A_61, %cond3A_62 : i32
      scf.if %cond3A_63 {
        %dma_wait3A = arith.constant 0 : i32
        %dma_wait3A_107 = tpu.memref_slice %arg5[%add3A_57, %dma_wait3A] : memref<40x128xi32, #tpu.memory_space<vmem>> -> memref<1x128xi32, #tpu.memory_space<vmem>>
        %dma_wait3A_108 = tpu.memref_squeeze %dma_wait3A_107 : memref<1x128xi32, #tpu.memory_space<vmem>> -> memref<128xi32, #tpu.memory_space<vmem>>
        %dma_wait3A_109 = arith.constant 0 : i32
        %dma_wait3A_110 = arith.constant 0 : i32
        %dma_wait3A_111 = tpu.memref_slice %arg2[%arg0, %dma_wait3A_109, %dma_wait3A_110] : memref<2x10240x128xf32, #tpu.memory_space<hbm>> -> memref<1x10240x128xf32, #tpu.memory_space<hbm>>
        %dma_wait3A_112 = tpu.memref_squeeze %dma_wait3A_111 : memref<1x10240x128xf32, #tpu.memory_space<hbm>> -> memref<10240x128xf32, #tpu.memory_space<hbm>>
        %dma_wait3A_113 = arith.constant 0 : i32
        %dma_wait3A_114 = arith.constant 0 : i32
        %dma_wait3A_115 = tpu.memref_slice %dma_wait3A_112[%dma_wait3A_113, %dma_wait3A_114] : memref<10240x128xf32, #tpu.memory_space<hbm>> -> memref<10240x128xf32, #tpu.memory_space<hbm>>
        tpu.wait_indirect_dma semaphore(%arg10 : memref<!tpu.dma_semaphore, #tpu.memory_space<semaphore_mem>>) src(%dma_wait3A_115 : memref<10240x128xf32, #tpu.memory_space<hbm>>) dst(%arg7 : memref<128x128xf32, #tpu.memory_space<vmem>>)
      } else {
      }
      %add3A_64 = arith.constant 1 : i32
      %add3A_65 = arith.addi %add3A_58, %add3A_64 : i32
      %lt3A_66 = arith.constant 1250 : i32
      %lt3A_67 = arith.cmpi slt, %add3A_65, %lt3A_66 : i32
      %add3A_68 = arith.constant 1 : i32
      %add3A_69 = arith.addi %add3A_57, %add3A_68 : i32
      %lt3A_70 = arith.constant 40 : i32
      %lt3A_71 = arith.cmpi slt, %add3A_69, %lt3A_70 : i32
      %and3A = arith.andi %lt3A_67, %lt3A_71 : i1
      %convert_element_type3A_72 = arith.extui %and3A : i1 to i32
      %cond3A_73 = arith.constant 0 : i32
      %cond3A_74 = arith.cmpi ne, %convert_element_type3A_72, %cond3A_73 : i32
      scf.if %cond3A_74 {
        %add3A_107 = arith.constant 1 : i32
        %add3A_108 = arith.addi %add3A_57, %add3A_107 : i32
        %dma_start3A = arith.constant 0 : i32
        %dma_start3A_109 = tpu.memref_slice %arg5[%add3A_108, %dma_start3A] : memref<40x128xi32, #tpu.memory_space<vmem>> -> memref<1x128xi32, #tpu.memory_space<vmem>>
        %dma_start3A_110 = tpu.memref_squeeze %dma_start3A_109 : memref<1x128xi32, #tpu.memory_space<vmem>> -> memref<128xi32, #tpu.memory_space<vmem>>
        %dma_start3A_111 = arith.constant 0 : i32
        %dma_start3A_112 = arith.constant 0 : i32
        %dma_start3A_113 = tpu.memref_slice %arg2[%arg0, %dma_start3A_111, %dma_start3A_112] : memref<2x10240x128xf32, #tpu.memory_space<hbm>> -> memref<1x10240x128xf32, #tpu.memory_space<hbm>>
        %dma_start3A_114 = tpu.memref_squeeze %dma_start3A_113 : memref<1x10240x128xf32, #tpu.memory_space<hbm>> -> memref<10240x128xf32, #tpu.memory_space<hbm>>
        %dma_start3A_115 = arith.constant 0 : i32
        %dma_start3A_116 = arith.constant 0 : i32
        %dma_start3A_117 = tpu.memref_slice %dma_start3A_114[%dma_start3A_115, %dma_start3A_116] : memref<10240x128xf32, #tpu.memory_space<hbm>> -> memref<10240x128xf32, #tpu.memory_space<hbm>>
        tpu.enqueue_indirect_dma source(%dma_start3A_117 : memref<10240x128xf32, #tpu.memory_space<hbm>>) target(%arg8 : memref<128x128xf32, #tpu.memory_space<vmem>>) offsets(%dma_start3A_110 : memref<128xi32, #tpu.memory_space<vmem>>) semaphore(%arg11 : memref<!tpu.dma_semaphore, #tpu.memory_space<semaphore_mem>>)
      } else {
      }
      %lt3A_75 = arith.constant 1250 : i32
      %lt3A_76 = arith.cmpi slt, %add3A_58, %lt3A_75 : i32
      %convert_element_type3A_77 = arith.extui %lt3A_76 : i1 to i32
      %cond3A_78 = arith.constant 0 : i32
      %cond3A_79 = arith.cmpi ne, %convert_element_type3A_77, %cond3A_78 : i32
      scf.if %cond3A_79 {
        "tpu.region"() ({
          %run_scoped3A_107 = tpu.sem_alloc : memref<!tpu.dma_semaphore, #tpu.memory_space<semaphore_mem>>
          %dma_start3A = arith.constant 0 : i32
          %dma_start3A_108 = tpu.memref_slice %arg6[%add3A_57, %dma_start3A] : memref<40x128xi32, #tpu.memory_space<vmem>> -> memref<1x128xi32, #tpu.memory_space<vmem>>
          %dma_start3A_109 = tpu.memref_squeeze %dma_start3A_108 : memref<1x128xi32, #tpu.memory_space<vmem>> -> memref<128xi32, #tpu.memory_space<vmem>>
          %dma_start3A_110 = arith.constant 0 : i32
          %dma_start3A_111 = arith.constant 0 : i32
          %dma_start3A_112 = tpu.memref_slice %arg9[%dma_start3A_110, %dma_start3A_111] : memref<10240x128xf32, #tpu.memory_space<vmem_shared>> -> memref<10240x128xf32, #tpu.memory_space<vmem_shared>>
          tpu.enqueue_indirect_dma source(%arg7 : memref<128x128xf32, #tpu.memory_space<vmem>>) target(%dma_start3A_112 : memref<10240x128xf32, #tpu.memory_space<vmem_shared>>) offsets(%dma_start3A_109 : memref<128xi32, #tpu.memory_space<vmem>>) semaphore(%run_scoped3A_107 : memref<!tpu.dma_semaphore, #tpu.memory_space<semaphore_mem>>) {add = true}
          %dma_wait3A = arith.constant 0 : i32
          %dma_wait3A_113 = tpu.memref_slice %arg6[%add3A_57, %dma_wait3A] : memref<40x128xi32, #tpu.memory_space<vmem>> -> memref<1x128xi32, #tpu.memory_space<vmem>>
          %dma_wait3A_114 = tpu.memref_squeeze %dma_wait3A_113 : memref<1x128xi32, #tpu.memory_space<vmem>> -> memref<128xi32, #tpu.memory_space<vmem>>
          %dma_wait3A_115 = arith.constant 0 : i32
          %dma_wait3A_116 = arith.constant 0 : i32
          %dma_wait3A_117 = tpu.memref_slice %arg9[%dma_wait3A_115, %dma_wait3A_116] : memref<10240x128xf32, #tpu.memory_space<vmem_shared>> -> memref<10240x128xf32, #tpu.memory_space<vmem_shared>>
          tpu.wait_indirect_dma semaphore(%run_scoped3A_107 : memref<!tpu.dma_semaphore, #tpu.memory_space<semaphore_mem>>) src(%arg7 : memref<128x128xf32, #tpu.memory_space<vmem>>) dst(%dma_wait3A_117 : memref<10240x128xf32, #tpu.memory_space<vmem_shared>>)
          tpu.yield
        }) : () -> ()
      } else {
      }
      %mul3A_80 = arith.constant 2 : i32
      %mul3A_81 = arith.muli %mul3A_80, %scan3A_53 : i32
      %add3A_82 = arith.constant 1 : i32
      %add3A_83 = arith.addi %mul3A_81, %add3A_82 : i32
      %add3A_84 = arith.addi %add3A_35, %add3A_83 : i32
      %lt3A_85 = arith.constant 1250 : i32
      %lt3A_86 = arith.cmpi slt, %add3A_84, %lt3A_85 : i32
      %convert_element_type3A_87 = arith.extui %lt3A_86 : i1 to i32
      %cond3A_88 = arith.constant 0 : i32
      %cond3A_89 = arith.cmpi ne, %convert_element_type3A_87, %cond3A_88 : i32
      scf.if %cond3A_89 {
        %dma_wait3A = arith.constant 0 : i32
        %dma_wait3A_107 = tpu.memref_slice %arg5[%add3A_83, %dma_wait3A] : memref<40x128xi32, #tpu.memory_space<vmem>> -> memref<1x128xi32, #tpu.memory_space<vmem>>
        %dma_wait3A_108 = tpu.memref_squeeze %dma_wait3A_107 : memref<1x128xi32, #tpu.memory_space<vmem>> -> memref<128xi32, #tpu.memory_space<vmem>>
        %dma_wait3A_109 = arith.constant 0 : i32
        %dma_wait3A_110 = arith.constant 0 : i32
        %dma_wait3A_111 = tpu.memref_slice %arg2[%arg0, %dma_wait3A_109, %dma_wait3A_110] : memref<2x10240x128xf32, #tpu.memory_space<hbm>> -> memref<1x10240x128xf32, #tpu.memory_space<hbm>>
        %dma_wait3A_112 = tpu.memref_squeeze %dma_wait3A_111 : memref<1x10240x128xf32, #tpu.memory_space<hbm>> -> memref<10240x128xf32, #tpu.memory_space<hbm>>
        %dma_wait3A_113 = arith.constant 0 : i32
        %dma_wait3A_114 = arith.constant 0 : i32
        %dma_wait3A_115 = tpu.memref_slice %dma_wait3A_112[%dma_wait3A_113, %dma_wait3A_114] : memref<10240x128xf32, #tpu.memory_space<hbm>> -> memref<10240x128xf32, #tpu.memory_space<hbm>>
        tpu.wait_indirect_dma semaphore(%arg11 : memref<!tpu.dma_semaphore, #tpu.memory_space<semaphore_mem>>) src(%dma_wait3A_115 : memref<10240x128xf32, #tpu.memory_space<hbm>>) dst(%arg8 : memref<128x128xf32, #tpu.memory_space<vmem>>)
      } else {
      }
      %add3A_90 = arith.constant 1 : i32
      %add3A_91 = arith.addi %add3A_84, %add3A_90 : i32
      %lt3A_92 = arith.constant 1250 : i32
      %lt3A_93 = arith.cmpi slt, %add3A_91, %lt3A_92 : i32
      %add3A_94 = arith.constant 1 : i32
      %add3A_95 = arith.addi %add3A_83, %add3A_94 : i32
      %lt3A_96 = arith.constant 40 : i32
      %lt3A_97 = arith.cmpi slt, %add3A_95, %lt3A_96 : i32
      %and3A_98 = arith.andi %lt3A_93, %lt3A_97 : i1
      %convert_element_type3A_99 = arith.extui %and3A_98 : i1 to i32
      %cond3A_100 = arith.constant 0 : i32
      %cond3A_101 = arith.cmpi ne, %convert_element_type3A_99, %cond3A_100 : i32
      scf.if %cond3A_101 {
        %add3A_107 = arith.constant 1 : i32
        %add3A_108 = arith.addi %add3A_83, %add3A_107 : i32
        %dma_start3A = arith.constant 0 : i32
        %dma_start3A_109 = tpu.memref_slice %arg5[%add3A_108, %dma_start3A] : memref<40x128xi32, #tpu.memory_space<vmem>> -> memref<1x128xi32, #tpu.memory_space<vmem>>
        %dma_start3A_110 = tpu.memref_squeeze %dma_start3A_109 : memref<1x128xi32, #tpu.memory_space<vmem>> -> memref<128xi32, #tpu.memory_space<vmem>>
        %dma_start3A_111 = arith.constant 0 : i32
        %dma_start3A_112 = arith.constant 0 : i32
        %dma_start3A_113 = tpu.memref_slice %arg2[%arg0, %dma_start3A_111, %dma_start3A_112] : memref<2x10240x128xf32, #tpu.memory_space<hbm>> -> memref<1x10240x128xf32, #tpu.memory_space<hbm>>
        %dma_start3A_114 = tpu.memref_squeeze %dma_start3A_113 : memref<1x10240x128xf32, #tpu.memory_space<hbm>> -> memref<10240x128xf32, #tpu.memory_space<hbm>>
        %dma_start3A_115 = arith.constant 0 : i32
        %dma_start3A_116 = arith.constant 0 : i32
        %dma_start3A_117 = tpu.memref_slice %dma_start3A_114[%dma_start3A_115, %dma_start3A_116] : memref<10240x128xf32, #tpu.memory_space<hbm>> -> memref<10240x128xf32, #tpu.memory_space<hbm>>
        tpu.enqueue_indirect_dma source(%dma_start3A_117 : memref<10240x128xf32, #tpu.memory_space<hbm>>) target(%arg7 : memref<128x128xf32, #tpu.memory_space<vmem>>) offsets(%dma_start3A_110 : memref<128xi32, #tpu.memory_space<vmem>>) semaphore(%arg10 : memref<!tpu.dma_semaphore, #tpu.memory_space<semaphore_mem>>)
      } else {
      }
      %lt3A_102 = arith.constant 1250 : i32
      %lt3A_103 = arith.cmpi slt, %add3A_84, %lt3A_102 : i32
      %convert_element_type3A_104 = arith.extui %lt3A_103 : i1 to i32
      %cond3A_105 = arith.constant 0 : i32
      %cond3A_106 = arith.cmpi ne, %convert_element_type3A_104, %cond3A_105 : i32
      scf.if %cond3A_106 {
        "tpu.region"() ({
          %run_scoped3A_107 = tpu.sem_alloc : memref<!tpu.dma_semaphore, #tpu.memory_space<semaphore_mem>>
          %dma_start3A = arith.constant 0 : i32
          %dma_start3A_108 = tpu.memref_slice %arg6[%add3A_83, %dma_start3A] : memref<40x128xi32, #tpu.memory_space<vmem>> -> memref<1x128xi32, #tpu.memory_space<vmem>>
          %dma_start3A_109 = tpu.memref_squeeze %dma_start3A_108 : memref<1x128xi32, #tpu.memory_space<vmem>> -> memref<128xi32, #tpu.memory_space<vmem>>
          %dma_start3A_110 = arith.constant 0 : i32
          %dma_start3A_111 = arith.constant 0 : i32
          %dma_start3A_112 = tpu.memref_slice %arg9[%dma_start3A_110, %dma_start3A_111] : memref<10240x128xf32, #tpu.memory_space<vmem_shared>> -> memref<10240x128xf32, #tpu.memory_space<vmem_shared>>
          tpu.enqueue_indirect_dma source(%arg8 : memref<128x128xf32, #tpu.memory_space<vmem>>) target(%dma_start3A_112 : memref<10240x128xf32, #tpu.memory_space<vmem_shared>>) offsets(%dma_start3A_109 : memref<128xi32, #tpu.memory_space<vmem>>) semaphore(%run_scoped3A_107 : memref<!tpu.dma_semaphore, #tpu.memory_space<semaphore_mem>>) {add = true}
          %dma_wait3A = arith.constant 0 : i32
          %dma_wait3A_113 = tpu.memref_slice %arg6[%add3A_83, %dma_wait3A] : memref<40x128xi32, #tpu.memory_space<vmem>> -> memref<1x128xi32, #tpu.memory_space<vmem>>
          %dma_wait3A_114 = tpu.memref_squeeze %dma_wait3A_113 : memref<1x128xi32, #tpu.memory_space<vmem>> -> memref<128xi32, #tpu.memory_space<vmem>>
          %dma_wait3A_115 = arith.constant 0 : i32
          %dma_wait3A_116 = arith.constant 0 : i32
          %dma_wait3A_117 = tpu.memref_slice %arg9[%dma_wait3A_115, %dma_wait3A_116] : memref<10240x128xf32, #tpu.memory_space<vmem_shared>> -> memref<10240x128xf32, #tpu.memory_space<vmem_shared>>
          tpu.wait_indirect_dma semaphore(%run_scoped3A_107 : memref<!tpu.dma_semaphore, #tpu.memory_space<semaphore_mem>>) src(%arg8 : memref<128x128xf32, #tpu.memory_space<vmem>>) dst(%dma_wait3A_117 : memref<10240x128xf32, #tpu.memory_space<vmem_shared>>)
          tpu.yield
        }) : () -> ()
      } else {
      }
    }
    %scan3A_47 = arith.constant 20 : i32
    %barrier3A_48 = arith.constant 0 : index
    tpu.barrier barrier_id(%barrier3A_48)
    %mul3A_49 = arith.constant 640 : i32
    %mul3A_50 = arith.muli %arg1, %mul3A_49 : i32
    %mul3A_51 = arith.constant 640 : i32
    %mul3A_52 = arith.muli %arg1, %mul3A_51 : i32
    "tpu.region"() ({
      %run_scoped3A_53 = tpu.sem_alloc : memref<!tpu.dma_semaphore, #tpu.memory_space<semaphore_mem>>
      %dma_start3A = arith.constant 0 : i32
      %dma_start3A_54 = tpu.memref_slice %arg4[%arg0, %mul3A_52, %dma_start3A] : memref<2x10240x128xf32, #tpu.memory_space<hbm>> -> memref<1x640x128xf32, #tpu.memory_space<hbm>>
      %dma_start3A_55 = tpu.memref_squeeze %dma_start3A_54 : memref<1x640x128xf32, #tpu.memory_space<hbm>> -> memref<640x128xf32, #tpu.memory_space<hbm>>
      %dma_start3A_56 = arith.constant 0 : i32
      %dma_start3A_57 = tpu.memref_slice %arg9[%mul3A_50, %dma_start3A_56] : memref<10240x128xf32, #tpu.memory_space<vmem_shared>> -> memref<640x128xf32, #tpu.memory_space<vmem_shared>>
      tpu.enqueue_dma source(%dma_start3A_57 : memref<640x128xf32, #tpu.memory_space<vmem_shared>>) target(%dma_start3A_55 : memref<640x128xf32, #tpu.memory_space<hbm>>) target_semaphore(%run_scoped3A_53 : memref<!tpu.dma_semaphore, #tpu.memory_space<semaphore_mem>>)
      %dma_wait3A = arith.constant 0 : i32
      %dma_wait3A_58 = tpu.memref_slice %arg4[%arg0, %mul3A_52, %dma_wait3A] : memref<2x10240x128xf32, #tpu.memory_space<hbm>> -> memref<1x640x128xf32, #tpu.memory_space<hbm>>
      %dma_wait3A_59 = tpu.memref_squeeze %dma_wait3A_58 : memref<1x640x128xf32, #tpu.memory_space<hbm>> -> memref<640x128xf32, #tpu.memory_space<hbm>>
      %dma_wait3A_60 = arith.constant 0 : i32
      %dma_wait3A_61 = tpu.memref_slice %arg9[%mul3A_50, %dma_wait3A_60] : memref<10240x128xf32, #tpu.memory_space<vmem_shared>> -> memref<640x128xf32, #tpu.memory_space<vmem_shared>>
      tpu.wait_dma2 semaphore(%run_scoped3A_53 : memref<!tpu.dma_semaphore, #tpu.memory_space<semaphore_mem>>) src(%dma_wait3A_61 : memref<640x128xf32, #tpu.memory_space<vmem_shared>>) dst(%dma_wait3A_59 : memref<640x128xf32, #tpu.memory_space<hbm>>)
      tpu.yield
    }) : () -> ()
    return
  }
}

#map = affine_map<(d0, d1) -> (0, 0, 0, 0)>
#map1 = affine_map<(d0, d1) -> (0, 0, 0)>
module attributes {stable_mosaic.version = 14 : i64} {
  func.func @_sc_deg_body(%arg0: i32, %arg1: i32, %arg2: memref<2x2x1280x128xi32, #tpu.memory_space<hbm>>, %arg3: memref<2x16x10000xf32, #tpu.memory_space<hbm>>, %arg4: memref<80x128xi32, #tpu.memory_space<vmem>>, %arg5: memref<10240xf32, #tpu.memory_space<vmem>>) attributes {dimension_semantics = [#tpu.dimension_semantics<core_parallel>, #tpu.dimension_semantics<subcore_parallel>], iteration_bounds = array<i64: 2, 16>, scalar_prefetch = 0 : i64, scratch_operands = 2 : i64, tpu.core_type = #tpu.core_type<sc_vector_subcore>, window_params = [{transform_indices = #map}, {transform_indices = #map1}]} {
    %mul3A = arith.constant 80 : i32
    %mul3A_0 = arith.muli %arg1, %mul3A : i32
    %scan3A = arith.constant 0 : i32
    %scan3A_1 = arith.constant 640 : i32
    %scan3A_2 = arith.addi %scan3A, %scan3A_1 : i32
    %scan3A_3 = arith.constant 1 : i32
    scf.for %scan3A_11 = %scan3A to %scan3A_2 step %scan3A_3  : i32 {
      %broadcast_in_dim3A_12 = arith.constant 0.000000e+00 : f32
      %broadcast_in_dim3A_13 = vector.broadcast %broadcast_in_dim3A_12 : f32 to vector<16xf32>
      %mul3A_14 = arith.constant 16 : i32
      %mul3A_15 = arith.muli %scan3A_11, %mul3A_14 : i32
      %swap3A = arith.index_cast %mul3A_15 : i32 to index
      %swap3A_16 = tpu.vector_load %arg5[%swap3A] {strides = array<i32>} : memref<10240xf32, #tpu.memory_space<vmem>>, vector<16xf32>,
      tpu.vector_store %arg5[%swap3A], %broadcast_in_dim3A_13 {strides = array<i32>} : memref<10240xf32, #tpu.memory_space<vmem>>, vector<16xf32>,
    }
    %scan3A_4 = arith.constant 640 : i32
    %run_scoped3A = arith.constant 1 : i32
    "tpu.region"() ({
      %run_scoped3A_11 = tpu.sem_alloc : memref<!tpu.dma_semaphore, #tpu.memory_space<semaphore_mem>>
      %dma_start3A = arith.constant 0 : i32
      %dma_start3A_12 = tpu.memref_slice %arg2[%arg0, %run_scoped3A, %mul3A_0, %dma_start3A] : memref<2x2x1280x128xi32, #tpu.memory_space<hbm>> -> memref<1x1x80x128xi32, #tpu.memory_space<hbm>>
      %dma_start3A_13 = tpu.memref_squeeze %dma_start3A_12 : memref<1x1x80x128xi32, #tpu.memory_space<hbm>> -> memref<80x128xi32, #tpu.memory_space<hbm>>
      %dma_start3A_14 = arith.constant 0 : i32
      %dma_start3A_15 = tpu.memref_slice %arg2[%arg0, %run_scoped3A, %mul3A_0, %dma_start3A_14] : memref<2x2x1280x128xi32, #tpu.memory_space<hbm>> -> memref<1x1x80x128xi32, #tpu.memory_space<hbm>>
      %dma_start3A_16 = tpu.memref_squeeze %dma_start3A_15 : memref<1x1x80x128xi32, #tpu.memory_space<hbm>> -> memref<80x128xi32, #tpu.memory_space<hbm>>
      tpu.enqueue_dma source(%dma_start3A_16 : memref<80x128xi32, #tpu.memory_space<hbm>>) target(%arg4 : memref<80x128xi32, #tpu.memory_space<vmem>>) target_semaphore(%run_scoped3A_11 : memref<!tpu.dma_semaphore, #tpu.memory_space<semaphore_mem>>)
      %dma_wait3A = arith.constant 0 : i32
      %dma_wait3A_17 = tpu.memref_slice %arg2[%arg0, %run_scoped3A, %mul3A_0, %dma_wait3A] : memref<2x2x1280x128xi32, #tpu.memory_space<hbm>> -> memref<1x1x80x128xi32, #tpu.memory_space<hbm>>
      %dma_wait3A_18 = tpu.memref_squeeze %dma_wait3A_17 : memref<1x1x80x128xi32, #tpu.memory_space<hbm>> -> memref<80x128xi32, #tpu.memory_space<hbm>>
      %dma_wait3A_19 = arith.constant 0 : i32
      %dma_wait3A_20 = tpu.memref_slice %arg2[%arg0, %run_scoped3A, %mul3A_0, %dma_wait3A_19] : memref<2x2x1280x128xi32, #tpu.memory_space<hbm>> -> memref<1x1x80x128xi32, #tpu.memory_space<hbm>>
      %dma_wait3A_21 = tpu.memref_squeeze %dma_wait3A_20 : memref<1x1x80x128xi32, #tpu.memory_space<hbm>> -> memref<80x128xi32, #tpu.memory_space<hbm>>
      tpu.wait_dma2 semaphore(%run_scoped3A_11 : memref<!tpu.dma_semaphore, #tpu.memory_space<semaphore_mem>>) src(%dma_wait3A_21 : memref<80x128xi32, #tpu.memory_space<hbm>>) dst(%arg4 : memref<80x128xi32, #tpu.memory_space<vmem>>)
      tpu.yield
    }) : () -> ()
    %broadcast_in_dim3A = arith.constant 1.000000e+00 : f32
    %broadcast_in_dim3A_5 = vector.broadcast %broadcast_in_dim3A : f32 to vector<16xf32>
    %scan3A_6 = arith.constant 0 : i32
    %scan3A_7 = arith.constant 80 : i32
    %scan3A_8 = arith.addi %scan3A_6, %scan3A_7 : i32
    %scan3A_9 = arith.constant 1 : i32
    scf.for %scan3A_11 = %scan3A_6 to %scan3A_8 step %scan3A_9  : i32 {
      %add3A = arith.addi %mul3A_0, %scan3A_11 : i32
      %lt3A = arith.constant 1250 : i32
      %lt3A_12 = arith.cmpi slt, %add3A, %lt3A : i32
      %convert_element_type3A = arith.extui %lt3A_12 : i1 to i32
      %cond3A = arith.constant 0 : i32
      %cond3A_13 = arith.cmpi ne, %convert_element_type3A, %cond3A : i32
      scf.if %cond3A_13 {
        %get3A = arith.index_cast %scan3A_11 : i32 to index
        %get3A_14 = arith.constant 0 : index
        %get3A_15 = tpu.vector_load %arg4[%get3A, %get3A_14] {strides = array<i32>} : memref<80x128xi32, #tpu.memory_space<vmem>>, vector<16xi32>,
        tpu.vector_store_idx %arg5[%get3A_15], %broadcast_in_dim3A_5 {add = true} : memref<10240xf32, #tpu.memory_space<vmem>>[vector<16xi32>], vector<16xf32>,
        %get3A_16 = arith.index_cast %scan3A_11 : i32 to index
        %get3A_17 = arith.constant 16 : index
        %get3A_18 = tpu.vector_load %arg4[%get3A_16, %get3A_17] {strides = array<i32>} : memref<80x128xi32, #tpu.memory_space<vmem>>, vector<16xi32>,
        tpu.vector_store_idx %arg5[%get3A_18], %broadcast_in_dim3A_5 {add = true} : memref<10240xf32, #tpu.memory_space<vmem>>[vector<16xi32>], vector<16xf32>,
        %get3A_19 = arith.index_cast %scan3A_11 : i32 to index
        %get3A_20 = arith.constant 32 : index
        %get3A_21 = tpu.vector_load %arg4[%get3A_19, %get3A_20] {strides = array<i32>} : memref<80x128xi32, #tpu.memory_space<vmem>>, vector<16xi32>,
        tpu.vector_store_idx %arg5[%get3A_21], %broadcast_in_dim3A_5 {add = true} : memref<10240xf32, #tpu.memory_space<vmem>>[vector<16xi32>], vector<16xf32>,
        %get3A_22 = arith.index_cast %scan3A_11 : i32 to index
        %get3A_23 = arith.constant 48 : index
        %get3A_24 = tpu.vector_load %arg4[%get3A_22, %get3A_23] {strides = array<i32>} : memref<80x128xi32, #tpu.memory_space<vmem>>, vector<16xi32>,
        tpu.vector_store_idx %arg5[%get3A_24], %broadcast_in_dim3A_5 {add = true} : memref<10240xf32, #tpu.memory_space<vmem>>[vector<16xi32>], vector<16xf32>,
        %get3A_25 = arith.index_cast %scan3A_11 : i32 to index
        %get3A_26 = arith.constant 64 : index
        %get3A_27 = tpu.vector_load %arg4[%get3A_25, %get3A_26] {strides = array<i32>} : memref<80x128xi32, #tpu.memory_space<vmem>>, vector<16xi32>,
        tpu.vector_store_idx %arg5[%get3A_27], %broadcast_in_dim3A_5 {add = true} : memref<10240xf32, #tpu.memory_space<vmem>>[vector<16xi32>], vector<16xf32>,
        %get3A_28 = arith.index_cast %scan3A_11 : i32 to index
        %get3A_29 = arith.constant 80 : index
        %get3A_30 = tpu.vector_load %arg4[%get3A_28, %get3A_29] {strides = array<i32>} : memref<80x128xi32, #tpu.memory_space<vmem>>, vector<16xi32>,
        tpu.vector_store_idx %arg5[%get3A_30], %broadcast_in_dim3A_5 {add = true} : memref<10240xf32, #tpu.memory_space<vmem>>[vector<16xi32>], vector<16xf32>,
        %get3A_31 = arith.index_cast %scan3A_11 : i32 to index
        %get3A_32 = arith.constant 96 : index
        %get3A_33 = tpu.vector_load %arg4[%get3A_31, %get3A_32] {strides = array<i32>} : memref<80x128xi32, #tpu.memory_space<vmem>>, vector<16xi32>,
        tpu.vector_store_idx %arg5[%get3A_33], %broadcast_in_dim3A_5 {add = true} : memref<10240xf32, #tpu.memory_space<vmem>>[vector<16xi32>], vector<16xf32>,
        %get3A_34 = arith.index_cast %scan3A_11 : i32 to index
        %get3A_35 = arith.constant 112 : index
        %get3A_36 = tpu.vector_load %arg4[%get3A_34, %get3A_35] {strides = array<i32>} : memref<80x128xi32, #tpu.memory_space<vmem>>, vector<16xi32>,
        tpu.vector_store_idx %arg5[%get3A_36], %broadcast_in_dim3A_5 {add = true} : memref<10240xf32, #tpu.memory_space<vmem>>[vector<16xi32>], vector<16xf32>,
      } else {
      }
    }
    %scan3A_10 = arith.constant 80 : i32
    "tpu.region"() ({
      %run_scoped3A_11 = tpu.sem_alloc : memref<!tpu.dma_semaphore, #tpu.memory_space<semaphore_mem>>
      %dma_start3A = arith.constant 0 : i32
      %dma_start3A_12 = tpu.memref_slice %arg5[%dma_start3A] : memref<10240xf32, #tpu.memory_space<vmem>> -> memref<10000xf32, #tpu.memory_space<vmem>>
      %dma_start3A_13 = arith.constant 0 : i32
      %dma_start3A_14 = tpu.memref_slice %arg3[%arg0, %arg1, %dma_start3A_13] : memref<2x16x10000xf32, #tpu.memory_space<hbm>> -> memref<1x1x10000xf32, #tpu.memory_space<hbm>>
      %dma_start3A_15 = tpu.memref_squeeze %dma_start3A_14 : memref<1x1x10000xf32, #tpu.memory_space<hbm>> -> memref<10000xf32, #tpu.memory_space<hbm>>
      %dma_start3A_16 = arith.constant 0 : i32
      %dma_start3A_17 = tpu.memref_slice %arg3[%arg0, %arg1, %dma_start3A_16] : memref<2x16x10000xf32, #tpu.memory_space<hbm>> -> memref<1x1x10000xf32, #tpu.memory_space<hbm>>
      %dma_start3A_18 = tpu.memref_squeeze %dma_start3A_17 : memref<1x1x10000xf32, #tpu.memory_space<hbm>> -> memref<10000xf32, #tpu.memory_space<hbm>>
      %dma_start3A_19 = arith.constant 0 : i32
      %dma_start3A_20 = tpu.memref_slice %arg5[%dma_start3A_19] : memref<10240xf32, #tpu.memory_space<vmem>> -> memref<10000xf32, #tpu.memory_space<vmem>>
      tpu.enqueue_dma source(%dma_start3A_20 : memref<10000xf32, #tpu.memory_space<vmem>>) target(%dma_start3A_18 : memref<10000xf32, #tpu.memory_space<hbm>>) target_semaphore(%run_scoped3A_11 : memref<!tpu.dma_semaphore, #tpu.memory_space<semaphore_mem>>)
      %dma_wait3A = arith.constant 0 : i32
      %dma_wait3A_21 = tpu.memref_slice %arg5[%dma_wait3A] : memref<10240xf32, #tpu.memory_space<vmem>> -> memref<10000xf32, #tpu.memory_space<vmem>>
      %dma_wait3A_22 = arith.constant 0 : i32
      %dma_wait3A_23 = tpu.memref_slice %arg3[%arg0, %arg1, %dma_wait3A_22] : memref<2x16x10000xf32, #tpu.memory_space<hbm>> -> memref<1x1x10000xf32, #tpu.memory_space<hbm>>
      %dma_wait3A_24 = tpu.memref_squeeze %dma_wait3A_23 : memref<1x1x10000xf32, #tpu.memory_space<hbm>> -> memref<10000xf32, #tpu.memory_space<hbm>>
      %dma_wait3A_25 = arith.constant 0 : i32
      %dma_wait3A_26 = tpu.memref_slice %arg3[%arg0, %arg1, %dma_wait3A_25] : memref<2x16x10000xf32, #tpu.memory_space<hbm>> -> memref<1x1x10000xf32, #tpu.memory_space<hbm>>
      %dma_wait3A_27 = tpu.memref_squeeze %dma_wait3A_26 : memref<1x1x10000xf32, #tpu.memory_space<hbm>> -> memref<10000xf32, #tpu.memory_space<hbm>>
      %dma_wait3A_28 = arith.constant 0 : i32
      %dma_wait3A_29 = tpu.memref_slice %arg5[%dma_wait3A_28] : memref<10240xf32, #tpu.memory_space<vmem>> -> memref<10000xf32, #tpu.memory_space<vmem>>
      tpu.wait_dma2 semaphore(%run_scoped3A_11 : memref<!tpu.dma_semaphore, #tpu.memory_space<semaphore_mem>>) src(%dma_wait3A_29 : memref<10000xf32, #tpu.memory_space<vmem>>) dst(%dma_wait3A_27 : memref<10000xf32, #tpu.memory_space<hbm>>)
      tpu.yield
    }) : () -> ()
    return
  }
}

module attributes {stable_mosaic.version = 14 : i64} {
  func.func @_k1_body(%arg0: i32, %arg1: memref<2048x128xf32, #tpu.memory_space<vmem>>, %arg2: memref<128x128xf32, #tpu.memory_space<vmem>>, %arg3: memref<16x10240xf32, #tpu.memory_space<vmem>>, %arg4: memref<2048x128xf32, #tpu.memory_space<vmem>>) attributes {dimension_semantics = [#tpu.dimension_semantics<arbitrary>], iteration_bounds = array<i64: 5>, scalar_prefetch = 0 : i64, scratch_operands = 0 : i64, tpu.core_type = #tpu.core_type<tc>, window_params = [{transform_indices = @transform_0, window_bounds = array<i64: 2048, 128>}, {pipeline_mode = #tpu.pipeline_mode<synchronous>, transform_indices = @transform_1, window_bounds = array<i64: 128, 128>}, {pipeline_mode = #tpu.pipeline_mode<synchronous>, transform_indices = @transform_2, window_bounds = array<i64: 16, 10240>}, {transform_indices = @transform_3, window_bounds = array<i64: 2048, 128>}]} {
    %mul3A = arith.constant 2048 : i32
    %mul3A_0 = arith.muli %arg0, %mul3A : i32
    %get3A = arith.constant 0 : index
    %get3A_1 = arith.index_cast %mul3A_0 : i32 to index
    %get3A_2 = vector.load %arg3[%get3A, %get3A_1] : memref<16x10240xf32, #tpu.memory_space<vmem>>, vector<16x2048xf32>
    %reduce_sum3A = arith.constant dense<0.000000e+00> : vector<2048xf32>
    %reduce_sum3A_3 = vector.multi_reduction <add>, %get3A_2, %reduce_sum3A [0] : vector<16x2048xf32> to vector<2048xf32>
    %add3A = arith.constant 1.000000e+00 : f32
    %add3A_4 = vector.broadcast %add3A : f32 to vector<2048xf32>
    %add3A_5 = arith.addf %reduce_sum3A_3, %add3A_4 : vector<2048xf32>
    %rsqrt3A = math.rsqrt %add3A_5 : vector<2048xf32>
    %broadcast_in_dim3A = vector.shape_cast %rsqrt3A : vector<2048xf32> to vector<2048x1xf32>
    %get3A_6 = arith.constant 0 : index
    %get3A_7 = arith.constant 0 : index
    %get3A_8 = vector.load %arg1[%get3A_6, %get3A_7] : memref<2048x128xf32, #tpu.memory_space<vmem>>, vector<2048x128xf32>
    %get3A_9 = arith.constant 0 : index
    %get3A_10 = arith.constant 0 : index
    %get3A_11 = vector.load %arg2[%get3A_9, %get3A_10] : memref<128x128xf32, #tpu.memory_space<vmem>>, vector<128x128xf32>
    %dot_general3A = arith.constant dense<0.000000e+00> : vector<2048x128xf32>
    %dot_general3A_12 = tpu.matmul %get3A_8, %get3A_11, %dot_general3A {dimension_numbers = #tpu.dot_dimension_numbers<[1], [0], [0], [1], [0, 0, 1, 1], [], []>, transpose_lhs_hint = false} : vector<2048x128xf32>, vector<128x128xf32>, vector<2048x128xf32> -> vector<2048x128xf32>
    %mul3A_13 = vector.broadcast %broadcast_in_dim3A : vector<2048x1xf32> to vector<2048x128xf32>
    %mul3A_14 = arith.mulf %dot_general3A_12, %mul3A_13 : vector<2048x128xf32>
    %swap3A = arith.constant 0 : index
    %swap3A_15 = arith.constant 0 : index
    %swap3A_16 = vector.load %arg4[%swap3A, %swap3A_15] : memref<2048x128xf32, #tpu.memory_space<vmem>>, vector<2048x128xf32>
    tpu.vector_store %arg4[%swap3A, %swap3A_15], %mul3A_14 {strides = array<i32>} : memref<2048x128xf32, #tpu.memory_space<vmem>>, vector<2048x128xf32>,
    return
  }
  func.func @transform_0(%arg0: i32) -> (i32, i32) {
    %c0_i32 = arith.constant 0 : i32
    %c0_i32_0 = arith.constant 0 : i32
    return %arg0, %c0_i32 : i32, i32
  }
  func.func @transform_1(%arg0: i32) -> (i32, i32) {
    %c0_i32 = arith.constant 0 : i32
    %c0_i32_0 = arith.constant 0 : i32
    %c0_i32_1 = arith.constant 0 : i32
    return %c0_i32, %c0_i32_0 : i32, i32
  }
  func.func @transform_2(%arg0: i32) -> (i32, i32) {
    %c0_i32 = arith.constant 0 : i32
    %c0_i32_0 = arith.constant 0 : i32
    %c0_i32_1 = arith.constant 0 : i32
    return %c0_i32, %c0_i32_0 : i32, i32
  }
  func.func @transform_3(%arg0: i32) -> (i32, i32) {
    %c0_i32 = arith.constant 0 : i32
    %c0_i32_0 = arith.constant 0 : i32
    return %arg0, %c0_i32 : i32, i32
  }
}

module attributes {stable_mosaic.version = 14 : i64} {
  func.func @_k5_body(%arg0: i32, %arg1: memref<2048x128xf32, #tpu.memory_space<vmem>>, %arg2: memref<2048x128xf32, #tpu.memory_space<vmem>>, %arg3: memref<16x10240xf32, #tpu.memory_space<vmem>>, %arg4: memref<1x128xf32, #tpu.memory_space<vmem>>, %arg5: memref<128x128xf32, #tpu.memory_space<vmem>>, %arg6: memref<1x128xf32, #tpu.memory_space<vmem>>, %arg7: memref<128x128xf32, #tpu.memory_space<vmem>>, %arg8: memref<1x128xf32, #tpu.memory_space<vmem>>, %arg9: memref<2048x128xf32, #tpu.memory_space<vmem>>) attributes {dimension_semantics = [#tpu.dimension_semantics<arbitrary>], iteration_bounds = array<i64: 5>, scalar_prefetch = 0 : i64, scratch_operands = 0 : i64, tpu.core_type = #tpu.core_type<tc>, window_params = [{transform_indices = @transform_0, window_bounds = array<i64: 2048, 128>}, {transform_indices = @transform_1, window_bounds = array<i64: 2048, 128>}, {pipeline_mode = #tpu.pipeline_mode<synchronous>, transform_indices = @transform_2, window_bounds = array<i64: 16, 10240>}, {pipeline_mode = #tpu.pipeline_mode<synchronous>, transform_indices = @transform_3, window_bounds = array<i64: 1, 128>}, {pipeline_mode = #tpu.pipeline_mode<synchronous>, transform_indices = @transform_4, window_bounds = array<i64: 128, 128>}, {pipeline_mode = #tpu.pipeline_mode<synchronous>, transform_indices = @transform_5, window_bounds = array<i64: 1, 128>}, {pipeline_mode = #tpu.pipeline_mode<synchronous>, transform_indices = @transform_6, window_bounds = array<i64: 128, 128>}, {pipeline_mode = #tpu.pipeline_mode<synchronous>, transform_indices = @transform_7, window_bounds = array<i64: 1, 128>}, {transform_indices = @transform_8, window_bounds = array<i64: 2048, 128>}]} {
    %mul3A = arith.constant 2048 : i32
    %mul3A_0 = arith.muli %arg0, %mul3A : i32
    %get3A = arith.constant 0 : index
    %get3A_1 = arith.index_cast %mul3A_0 : i32 to index
    %get3A_2 = vector.load %arg3[%get3A, %get3A_1] : memref<16x10240xf32, #tpu.memory_space<vmem>>, vector<16x2048xf32>
    %reduce_sum3A = arith.constant dense<0.000000e+00> : vector<2048xf32>
    %reduce_sum3A_3 = vector.multi_reduction <add>, %get3A_2, %reduce_sum3A [0] : vector<16x2048xf32> to vector<2048xf32>
    %add3A = arith.constant 1.000000e+00 : f32
    %add3A_4 = vector.broadcast %add3A : f32 to vector<2048xf32>
    %add3A_5 = arith.addf %reduce_sum3A_3, %add3A_4 : vector<2048xf32>
    %rsqrt3A = math.rsqrt %add3A_5 : vector<2048xf32>
    %broadcast_in_dim3A = vector.shape_cast %rsqrt3A : vector<2048xf32> to vector<2048x1xf32>
    %get3A_6 = arith.constant 0 : index
    %get3A_7 = arith.constant 0 : index
    %get3A_8 = vector.load %arg1[%get3A_6, %get3A_7] : memref<2048x128xf32, #tpu.memory_space<vmem>>, vector<2048x128xf32>
    %get3A_9 = arith.constant 0 : index
    %get3A_10 = arith.constant 0 : index
    %get3A_11 = vector.load %arg2[%get3A_9, %get3A_10] : memref<2048x128xf32, #tpu.memory_space<vmem>>, vector<2048x128xf32>
    %add3A_12 = arith.addf %get3A_8, %get3A_11 : vector<2048x128xf32>
    %mul3A_13 = vector.broadcast %broadcast_in_dim3A : vector<2048x1xf32> to vector<2048x128xf32>
    %mul3A_14 = arith.mulf %mul3A_13, %add3A_12 : vector<2048x128xf32>
    %get3A_15 = arith.constant 0 : index
    %get3A_16 = arith.constant 0 : index
    %get3A_17 = vector.load %arg4[%get3A_15, %get3A_16] : memref<1x128xf32, #tpu.memory_space<vmem>>, vector<1x128xf32>
    %add3A_18 = vector.broadcast %get3A_17 : vector<1x128xf32> to vector<2048x128xf32>
    %add3A_19 = arith.addf %mul3A_14, %add3A_18 : vector<2048x128xf32>
    %get3A_20 = arith.constant 0 : index
    %get3A_21 = arith.constant 0 : index
    %get3A_22 = vector.load %arg5[%get3A_20, %get3A_21] : memref<128x128xf32, #tpu.memory_space<vmem>>, vector<128x128xf32>
    %dot_general3A = arith.constant dense<0.000000e+00> : vector<2048x128xf32>
    %dot_general3A_23 = tpu.matmul %add3A_19, %get3A_22, %dot_general3A {dimension_numbers = #tpu.dot_dimension_numbers<[1], [0], [0], [1], [0, 0, 1, 1], [], []>, transpose_lhs_hint = false} : vector<2048x128xf32>, vector<128x128xf32>, vector<2048x128xf32> -> vector<2048x128xf32>
    %get3A_24 = arith.constant 0 : index
    %get3A_25 = arith.constant 0 : index
    %get3A_26 = vector.load %arg6[%get3A_24, %get3A_25] : memref<1x128xf32, #tpu.memory_space<vmem>>, vector<1x128xf32>
    %add3A_27 = vector.broadcast %get3A_26 : vector<1x128xf32> to vector<2048x128xf32>
    %add3A_28 = arith.addf %dot_general3A_23, %add3A_27 : vector<2048x128xf32>
    %gt3A = arith.constant 0.000000e+00 : f32
    %gt3A_29 = vector.broadcast %gt3A : f32 to vector<2048x128xf32>
    %gt3A_30 = arith.cmpf ogt, %add3A_28, %gt3A_29 : vector<2048x128xf32>
    %min3A = arith.constant 0.000000e+00 : f32
    %min3A_31 = vector.broadcast %min3A : f32 to vector<2048x128xf32>
    %min3A_32 = arith.minimumf %add3A_28, %min3A_31 : vector<2048x128xf32>
    %exp3A = math.exp %min3A_32 : vector<2048x128xf32>
    %sub3A = arith.constant 1.000000e+00 : f32
    %sub3A_33 = vector.broadcast %sub3A : f32 to vector<2048x128xf32>
    %sub3A_34 = arith.subf %exp3A, %sub3A_33 : vector<2048x128xf32>
    %select_n3A = arith.select %gt3A_30, %add3A_28, %sub3A_34 : vector<2048x128xi1>, vector<2048x128xf32>
    %get3A_35 = arith.constant 0 : index
    %get3A_36 = arith.constant 0 : index
    %get3A_37 = vector.load %arg7[%get3A_35, %get3A_36] : memref<128x128xf32, #tpu.memory_space<vmem>>, vector<128x128xf32>
    %dot_general3A_38 = arith.constant dense<0.000000e+00> : vector<2048x128xf32>
    %dot_general3A_39 = tpu.matmul %select_n3A, %get3A_37, %dot_general3A_38 {dimension_numbers = #tpu.dot_dimension_numbers<[1], [0], [0], [1], [0, 0, 1, 1], [], []>, transpose_lhs_hint = false} : vector<2048x128xf32>, vector<128x128xf32>, vector<2048x128xf32> -> vector<2048x128xf32>
    %get3A_40 = arith.constant 0 : index
    %get3A_41 = arith.constant 0 : index
    %get3A_42 = vector.load %arg8[%get3A_40, %get3A_41] : memref<1x128xf32, #tpu.memory_space<vmem>>, vector<1x128xf32>
    %add3A_43 = vector.broadcast %get3A_42 : vector<1x128xf32> to vector<2048x128xf32>
    %add3A_44 = arith.addf %dot_general3A_39, %add3A_43 : vector<2048x128xf32>
    %mul3A_45 = arith.mulf %add3A_44, %add3A_44 : vector<2048x128xf32>
    %reduce_sum3A_46 = arith.constant dense<0.000000e+00> : vector<2048xf32>
    %reduce_sum3A_47 = vector.multi_reduction <add>, %mul3A_45, %reduce_sum3A_46 [1] : vector<2048x128xf32> to vector<2048xf32>
    %broadcast_in_dim3A_48 = vector.shape_cast %reduce_sum3A_47 : vector<2048xf32> to vector<2048x1xf32>
    %sqrt3A = math.sqrt %broadcast_in_dim3A_48 : vector<2048x1xf32>
    %max3A = arith.constant 9.99999996E-13 : f32
    %max3A_49 = vector.broadcast %max3A : f32 to vector<2048x1xf32>
    %max3A_50 = arith.maximumf %sqrt3A, %max3A_49 : vector<2048x1xf32>
    %div3A = vector.broadcast %max3A_50 : vector<2048x1xf32> to vector<2048x128xf32>
    %div3A_51 = arith.divf %add3A_44, %div3A : vector<2048x128xf32>
    %swap3A = arith.constant 0 : index
    %swap3A_52 = arith.constant 0 : index
    %swap3A_53 = vector.load %arg9[%swap3A, %swap3A_52] : memref<2048x128xf32, #tpu.memory_space<vmem>>, vector<2048x128xf32>
    tpu.vector_store %arg9[%swap3A, %swap3A_52], %div3A_51 {strides = array<i32>} : memref<2048x128xf32, #tpu.memory_space<vmem>>, vector<2048x128xf32>,
    return
  }
  func.func @transform_0(%arg0: i32) -> (i32, i32) {
    %c0_i32 = arith.constant 0 : i32
    %c0_i32_0 = arith.constant 0 : i32
    return %arg0, %c0_i32 : i32, i32
  }
  func.func @transform_1(%arg0: i32) -> (i32, i32) {
    %c0_i32 = arith.constant 0 : i32
    %c0_i32_0 = arith.constant 0 : i32
    return %arg0, %c0_i32 : i32, i32
  }
  func.func @transform_2(%arg0: i32) -> (i32, i32) {
    %c0_i32 = arith.constant 0 : i32
    %c0_i32_0 = arith.constant 0 : i32
    %c0_i32_1 = arith.constant 0 : i32
    return %c0_i32, %c0_i32_0 : i32, i32
  }
  func.func @transform_3(%arg0: i32) -> (i32, i32) {
    %c0_i32 = arith.constant 0 : i32
    %c0_i32_0 = arith.constant 0 : i32
    %c0_i32_1 = arith.constant 0 : i32
    return %c0_i32, %c0_i32_0 : i32, i32
  }
  func.func @transform_4(%arg0: i32) -> (i32, i32) {
    %c0_i32 = arith.constant 0 : i32
    %c0_i32_0 = arith.constant 0 : i32
    %c0_i32_1 = arith.constant 0 : i32
    return %c0_i32, %c0_i32_0 : i32, i32
  }
  func.func @transform_5(%arg0: i32) -> (i32, i32) {
    %c0_i32 = arith.constant 0 : i32
    %c0_i32_0 = arith.constant 0 : i32
    %c0_i32_1 = arith.constant 0 : i32
    return %c0_i32, %c0_i32_0 : i32, i32
  }
  func.func @transform_6(%arg0: i32) -> (i32, i32) {
    %c0_i32 = arith.constant 0 : i32
    %c0_i32_0 = arith.constant 0 : i32
    %c0_i32_1 = arith.constant 0 : i32
    return %c0_i32, %c0_i32_0 : i32, i32
  }
  func.func @transform_7(%arg0: i32) -> (i32, i32) {
    %c0_i32 = arith.constant 0 : i32
    %c0_i32_0 = arith.constant 0 : i32
    %c0_i32_1 = arith.constant 0 : i32
    return %c0_i32, %c0_i32_0 : i32, i32
  }
  func.func @transform_8(%arg0: i32) -> (i32, i32) {
    %c0_i32 = arith.constant 0 : i32
    %c0_i32_0 = arith.constant 0 : i32
    return %arg0, %c0_i32 : i32, i32
  }
}

module attributes {stable_mosaic.version = 14 : i64} {
  func.func @_k6_body(%arg0: i32, %arg1: i32, %arg2: memref<1024x128xbf16, #tpu.memory_space<vmem>>, %arg3: memref<1024x128xbf16, #tpu.memory_space<vmem>>, %arg4: memref<1024x128xbf16, #tpu.memory_space<vmem>>, %arg5: memref<1024x128xbf16, #tpu.memory_space<vmem>>, %arg6: memref<1024x1xf32, #tpu.memory_space<vmem>>, %arg7: memref<1024x1xf32, #tpu.memory_space<vmem>>, %arg8: memref<1024x1xf32, #tpu.memory_space<vmem>>, %arg9: memref<1024x1xf32, #tpu.memory_space<vmem>>, %arg10: memref<1024x1xf32, #tpu.memory_space<vmem>>, %arg11: memref<1024x1xf32, #tpu.memory_space<vmem>>, %arg12: memref<10x1024xf32, #tpu.memory_space<vmem>>, %arg13: memref<10x1024xf32, #tpu.memory_space<vmem>>, %arg14: memref<10x1024xf32, #tpu.memory_space<vmem>>) attributes {dimension_semantics = [#tpu.dimension_semantics<arbitrary>, #tpu.dimension_semantics<arbitrary>], iteration_bounds = array<i64: 10, 10>, scalar_prefetch = 0 : i64, scratch_operands = 0 : i64, tpu.core_type = #tpu.core_type<tc>, window_params = [{transform_indices = @transform_0, window_bounds = array<i64: 1024, 128>}, {transform_indices = @transform_1, window_bounds = array<i64: 1024, 128>}, {transform_indices = @transform_2, window_bounds = array<i64: 1024, 128>}, {transform_indices = @transform_3, window_bounds = array<i64: 1024, 128>}, {transform_indices = @transform_4, window_bounds = array<i64: 1024, 1>}, {transform_indices = @transform_5, window_bounds = array<i64: 1024, 1>}, {transform_indices = @transform_6, window_bounds = array<i64: 1024, 1>}, {transform_indices = @transform_7, window_bounds = array<i64: 1024, 1>}, {transform_indices = @transform_8, window_bounds = array<i64: 1024, 1>}, {transform_indices = @transform_9, window_bounds = array<i64: 1024, 1>}, {pipeline_mode = #tpu.pipeline_mode<synchronous>, transform_indices = @transform_10, window_bounds = array<i64: 10, 1024>}, {pipeline_mode = #tpu.pipeline_mode<synchronous>, transform_indices = @transform_11, window_bounds = array<i64: 10, 1024>}, {pipeline_mode = #tpu.pipeline_mode<synchronous>, transform_indices = @transform_12, window_bounds = array<i64: 10, 1024>}]} {
    %get3A = arith.constant 0 : index
    %get3A_0 = arith.constant 0 : index
    %get3A_1 = vector.load %arg2[%get3A, %get3A_0] : memref<1024x128xbf16, #tpu.memory_space<vmem>>, vector<1024x128xbf16>
    %get3A_2 = arith.constant 0 : index
    %get3A_3 = arith.constant 0 : index
    %get3A_4 = vector.load %arg3[%get3A_2, %get3A_3] : memref<1024x128xbf16, #tpu.memory_space<vmem>>, vector<1024x128xbf16>
    %get3A_5 = arith.constant 0 : index
    %get3A_6 = arith.constant 0 : index
    %get3A_7 = vector.load %arg4[%get3A_5, %get3A_6] : memref<1024x128xbf16, #tpu.memory_space<vmem>>, vector<1024x128xbf16>
    %get3A_8 = arith.constant 0 : index
    %get3A_9 = arith.constant 0 : index
    %get3A_10 = vector.load %arg5[%get3A_8, %get3A_9] : memref<1024x128xbf16, #tpu.memory_space<vmem>>, vector<1024x128xbf16>
    %dot_general3A = arith.constant dense<0.000000e+00> : vector<1024x1024xf32>
    %dot_general3A_11 = tpu.matmul %get3A_1, %get3A_10, %dot_general3A {dimension_numbers = #tpu.dot_dimension_numbers<[1], [1], [0], [0], [0, 0, 1, 0], [], []>, transpose_lhs_hint = false} : vector<1024x128xbf16>, vector<1024x128xbf16>, vector<1024x1024xf32> -> vector<1024x1024xf32>
    %exp23A = math.exp2 %dot_general3A_11 : vector<1024x1024xf32>
    %iota3A = tpu.iota {dimensions = array<i32: 1>} : vector<1x1024xi32>
    %mul3A = arith.constant 1024 : i32
    %mul3A_12 = arith.muli %arg1, %mul3A : i32
    %add3A = vector.broadcast %mul3A_12 : i32 to vector<1x1024xi32>
    %add3A_13 = arith.addi %iota3A, %add3A : vector<1x1024xi32>
    %lt3A = arith.constant 10000 : i32
    %lt3A_14 = vector.broadcast %lt3A : i32 to vector<1x1024xi32>
    %lt3A_15 = arith.cmpi slt, %add3A_13, %lt3A_14 : vector<1x1024xi32>
    %convert_element_type3A = arith.extui %lt3A_15 : vector<1x1024xi1> to vector<1x1024xi32>
    %convert_element_type3A_16 = arith.sitofp %convert_element_type3A : vector<1x1024xi32> to vector<1x1024xf32>
    %iota3A_17 = tpu.iota {dimensions = array<i32: 0>} : vector<1024x1xi32>
    %mul3A_18 = arith.constant 1024 : i32
    %mul3A_19 = arith.muli %arg0, %mul3A_18 : i32
    %add3A_20 = vector.broadcast %mul3A_19 : i32 to vector<1024x1xi32>
    %add3A_21 = arith.addi %iota3A_17, %add3A_20 : vector<1024x1xi32>
    %lt3A_22 = arith.constant 10000 : i32
    %lt3A_23 = vector.broadcast %lt3A_22 : i32 to vector<1024x1xi32>
    %lt3A_24 = arith.cmpi slt, %add3A_21, %lt3A_23 : vector<1024x1xi32>
    %convert_element_type3A_25 = arith.extui %lt3A_24 : vector<1024x1xi1> to vector<1024x1xi32>
    %convert_element_type3A_26 = arith.sitofp %convert_element_type3A_25 : vector<1024x1xi32> to vector<1024x1xf32>
    %eq3A = arith.constant 0 : i32
    %eq3A_27 = arith.cmpi eq, %arg1, %eq3A : i32
    %convert_element_type3A_28 = arith.extui %eq3A_27 : i1 to i32
    %cond3A = arith.constant 0 : i32
    %cond3A_29 = arith.cmpi ne, %convert_element_type3A_28, %cond3A : i32
    scf.if %cond3A_29 {
      %broadcast_in_dim3A = arith.constant 0.000000e+00 : f32
      %broadcast_in_dim3A_58 = vector.broadcast %broadcast_in_dim3A : f32 to vector<1024x1xf32>
      %swap3A_59 = arith.constant 0 : index
      %swap3A_60 = arith.constant 0 : index
      %swap3A_61 = vector.load %arg6[%swap3A_59, %swap3A_60] : memref<1024x1xf32, #tpu.memory_space<vmem>>, vector<1024x1xf32>
      tpu.vector_store %arg6[%swap3A_59, %swap3A_60], %broadcast_in_dim3A_58 {strides = array<i32>} : memref<1024x1xf32, #tpu.memory_space<vmem>>, vector<1024x1xf32>,
      %broadcast_in_dim3A_62 = arith.constant 0.000000e+00 : f32
      %broadcast_in_dim3A_63 = vector.broadcast %broadcast_in_dim3A_62 : f32 to vector<1024x1xf32>
      %swap3A_64 = arith.constant 0 : index
      %swap3A_65 = arith.constant 0 : index
      %swap3A_66 = vector.load %arg7[%swap3A_64, %swap3A_65] : memref<1024x1xf32, #tpu.memory_space<vmem>>, vector<1024x1xf32>
      tpu.vector_store %arg7[%swap3A_64, %swap3A_65], %broadcast_in_dim3A_63 {strides = array<i32>} : memref<1024x1xf32, #tpu.memory_space<vmem>>, vector<1024x1xf32>,
      %broadcast_in_dim3A_67 = arith.constant 0.000000e+00 : f32
      %broadcast_in_dim3A_68 = vector.broadcast %broadcast_in_dim3A_67 : f32 to vector<1024x1xf32>
      %swap3A_69 = arith.constant 0 : index
      %swap3A_70 = arith.constant 0 : index
      %swap3A_71 = vector.load %arg8[%swap3A_69, %swap3A_70] : memref<1024x1xf32, #tpu.memory_space<vmem>>, vector<1024x1xf32>
      tpu.vector_store %arg8[%swap3A_69, %swap3A_70], %broadcast_in_dim3A_68 {strides = array<i32>} : memref<1024x1xf32, #tpu.memory_space<vmem>>, vector<1024x1xf32>,
      %broadcast_in_dim3A_72 = arith.constant 0.000000e+00 : f32
      %broadcast_in_dim3A_73 = vector.broadcast %broadcast_in_dim3A_72 : f32 to vector<1024x1xf32>
      %swap3A_74 = arith.constant 0 : index
      %swap3A_75 = arith.constant 0 : index
      %swap3A_76 = vector.load %arg9[%swap3A_74, %swap3A_75] : memref<1024x1xf32, #tpu.memory_space<vmem>>, vector<1024x1xf32>
      tpu.vector_store %arg9[%swap3A_74, %swap3A_75], %broadcast_in_dim3A_73 {strides = array<i32>} : memref<1024x1xf32, #tpu.memory_space<vmem>>, vector<1024x1xf32>,
      %broadcast_in_dim3A_77 = arith.constant 0.000000e+00 : f32
      %broadcast_in_dim3A_78 = vector.broadcast %broadcast_in_dim3A_77 : f32 to vector<1024x1xf32>
      %swap3A_79 = arith.constant 0 : index
      %swap3A_80 = arith.constant 0 : index
      %swap3A_81 = vector.load %arg10[%swap3A_79, %swap3A_80] : memref<1024x1xf32, #tpu.memory_space<vmem>>, vector<1024x1xf32>
      tpu.vector_store %arg10[%swap3A_79, %swap3A_80], %broadcast_in_dim3A_78 {strides = array<i32>} : memref<1024x1xf32, #tpu.memory_space<vmem>>, vector<1024x1xf32>,
      %broadcast_in_dim3A_82 = arith.constant 0.000000e+00 : f32
      %broadcast_in_dim3A_83 = vector.broadcast %broadcast_in_dim3A_82 : f32 to vector<1024x1xf32>
      %swap3A_84 = arith.constant 0 : index
      %swap3A_85 = arith.constant 0 : index
      %swap3A_86 = vector.load %arg11[%swap3A_84, %swap3A_85] : memref<1024x1xf32, #tpu.memory_space<vmem>>, vector<1024x1xf32>
      tpu.vector_store %arg11[%swap3A_84, %swap3A_85], %broadcast_in_dim3A_83 {strides = array<i32>} : memref<1024x1xf32, #tpu.memory_space<vmem>>, vector<1024x1xf32>,
    } else {
    }
    %eq3A_30 = arith.constant 0 : i32
    %eq3A_31 = arith.cmpi eq, %arg0, %eq3A_30 : i32
    %eq3A_32 = arith.constant 0 : i32
    %eq3A_33 = arith.cmpi eq, %arg1, %eq3A_32 : i32
    %and3A = arith.andi %eq3A_31, %eq3A_33 : i1
    %convert_element_type3A_34 = arith.extui %and3A : i1 to i32
    %cond3A_35 = arith.constant 0 : i32
    %cond3A_36 = arith.cmpi ne, %convert_element_type3A_34, %cond3A_35 : i32
    scf.if %cond3A_36 {
      %broadcast_in_dim3A = arith.constant 0.000000e+00 : f32
      %broadcast_in_dim3A_58 = vector.broadcast %broadcast_in_dim3A : f32 to vector<10x1024xf32>
      %swap3A_59 = arith.constant 0 : index
      %swap3A_60 = arith.constant 0 : index
      %swap3A_61 = vector.load %arg12[%swap3A_59, %swap3A_60] : memref<10x1024xf32, #tpu.memory_space<vmem>>, vector<10x1024xf32>
      tpu.vector_store %arg12[%swap3A_59, %swap3A_60], %broadcast_in_dim3A_58 {strides = array<i32>} : memref<10x1024xf32, #tpu.memory_space<vmem>>, vector<10x1024xf32>,
      %broadcast_in_dim3A_62 = arith.constant 0.000000e+00 : f32
      %broadcast_in_dim3A_63 = vector.broadcast %broadcast_in_dim3A_62 : f32 to vector<10x1024xf32>
      %swap3A_64 = arith.constant 0 : index
      %swap3A_65 = arith.constant 0 : index
      %swap3A_66 = vector.load %arg13[%swap3A_64, %swap3A_65] : memref<10x1024xf32, #tpu.memory_space<vmem>>, vector<10x1024xf32>
      tpu.vector_store %arg13[%swap3A_64, %swap3A_65], %broadcast_in_dim3A_63 {strides = array<i32>} : memref<10x1024xf32, #tpu.memory_space<vmem>>, vector<10x1024xf32>,
      %broadcast_in_dim3A_67 = arith.constant 0.000000e+00 : f32
      %broadcast_in_dim3A_68 = vector.broadcast %broadcast_in_dim3A_67 : f32 to vector<10x1024xf32>
      %swap3A_69 = arith.constant 0 : index
      %swap3A_70 = arith.constant 0 : index
      %swap3A_71 = vector.load %arg14[%swap3A_69, %swap3A_70] : memref<10x1024xf32, #tpu.memory_space<vmem>>, vector<10x1024xf32>
      tpu.vector_store %arg14[%swap3A_69, %swap3A_70], %broadcast_in_dim3A_68 {strides = array<i32>} : memref<10x1024xf32, #tpu.memory_space<vmem>>, vector<10x1024xf32>,
    } else {
    }
    %get3A_37 = arith.constant 0 : index
    %get3A_38 = arith.constant 0 : index
    %get3A_39 = vector.load %arg7[%get3A_37, %get3A_38] : memref<1024x1xf32, #tpu.memory_space<vmem>>, vector<1024x1xf32>
    %dot_general3A_40 = arith.constant dense<0.000000e+00> : vector<1024x1xf32>
    %dot_general3A_41 = tpu.matmul %exp23A, %convert_element_type3A_16, %dot_general3A_40 {dimension_numbers = #tpu.dot_dimension_numbers<[1], [1], [0], [0], [0, 0, 1, 0], [], []>, transpose_lhs_hint = false} : vector<1024x1024xf32>, vector<1x1024xf32>, vector<1024x1xf32> -> vector<1024x1xf32>
    %add3A_42 = arith.addf %get3A_39, %dot_general3A_41 : vector<1024x1xf32>
    %swap3A = arith.constant 0 : index
    %swap3A_43 = arith.constant 0 : index
    %swap3A_44 = vector.load %arg7[%swap3A, %swap3A_43] : memref<1024x1xf32, #tpu.memory_space<vmem>>, vector<1024x1xf32>
    tpu.vector_store %arg7[%swap3A, %swap3A_43], %add3A_42 {strides = array<i32>} : memref<1024x1xf32, #tpu.memory_space<vmem>>, vector<1024x1xf32>,
    %get3A_45 = arith.index_cast %arg1 : i32 to index
    %get3A_46 = arith.constant 0 : index
    %get3A_47 = vector.load %arg14[%get3A_45, %get3A_46] : memref<10x1024xf32, #tpu.memory_space<vmem>>, vector<1x1024xf32>
    %mul3A_48 = vector.broadcast %convert_element_type3A_26 : vector<1024x1xf32> to vector<1024x1024xf32>
    %mul3A_49 = arith.mulf %exp23A, %mul3A_48 : vector<1024x1024xf32>
    %reduce_sum3A = arith.constant dense<0.000000e+00> : vector<1024xf32>
    %reduce_sum3A_50 = vector.multi_reduction <add>, %mul3A_49, %reduce_sum3A [0] : vector<1024x1024xf32> to vector<1024xf32>
    %reshape3A = vector.shape_cast %reduce_sum3A_50 : vector<1024xf32> to vector<1x1024xf32>
    %add3A_51 = arith.addf %get3A_47, %reshape3A : vector<1x1024xf32>
    %swap3A_52 = arith.index_cast %arg1 : i32 to index
    %swap3A_53 = arith.constant 0 : index
    %swap3A_54 = vector.load %arg14[%swap3A_52, %swap3A_53] : memref<10x1024xf32, #tpu.memory_space<vmem>>, vector<1x1024xf32>
    tpu.vector_store %arg14[%swap3A_52, %swap3A_53], %add3A_51 {strides = array<i32>} : memref<10x1024xf32, #tpu.memory_space<vmem>>, vector<1x1024xf32>,
    %le3A = arith.cmpi sle, %arg0, %arg1 : i32
    %convert_element_type3A_55 = arith.extui %le3A : i1 to i32
    %cond3A_56 = arith.constant 0 : i32
    %cond3A_57 = arith.cmpi ne, %convert_element_type3A_55, %cond3A_56 : i32
    scf.if %cond3A_57 {
      %dot_general3A_58 = arith.constant dense<0.000000e+00> : vector<1024x1024xf32>
      %dot_general3A_59 = tpu.matmul %get3A_1, %get3A_7, %dot_general3A_58 {dimension_numbers = #tpu.dot_dimension_numbers<[1], [1], [0], [0], [0, 0, 1, 0], [], []>, transpose_lhs_hint = false} : vector<1024x128xbf16>, vector<1024x128xbf16>, vector<1024x1024xf32> -> vector<1024x1024xf32>
      %exp23A_60 = math.exp2 %dot_general3A_59 : vector<1024x1024xf32>
      %dot_general3A_61 = arith.constant dense<0.000000e+00> : vector<1024x1024xf32>
      %dot_general3A_62 = tpu.matmul %get3A_4, %get3A_10, %dot_general3A_61 {dimension_numbers = #tpu.dot_dimension_numbers<[1], [1], [0], [0], [0, 0, 1, 0], [], []>, transpose_lhs_hint = false} : vector<1024x128xbf16>, vector<1024x128xbf16>, vector<1024x1024xf32> -> vector<1024x1024xf32>
      %exp23A_63 = math.exp2 %dot_general3A_62 : vector<1024x1024xf32>
      %get3A_64 = arith.constant 0 : index
      %get3A_65 = arith.constant 0 : index
      %get3A_66 = vector.load %arg6[%get3A_64, %get3A_65] : memref<1024x1xf32, #tpu.memory_space<vmem>>, vector<1024x1xf32>
      %dot_general3A_67 = arith.constant dense<0.000000e+00> : vector<1024x1xf32>
      %dot_general3A_68 = tpu.matmul %exp23A_60, %convert_element_type3A_16, %dot_general3A_67 {dimension_numbers = #tpu.dot_dimension_numbers<[1], [1], [0], [0], [0, 0, 1, 0], [], []>, transpose_lhs_hint = false} : vector<1024x1024xf32>, vector<1x1024xf32>, vector<1024x1xf32> -> vector<1024x1xf32>
      %add3A_69 = arith.addf %get3A_66, %dot_general3A_68 : vector<1024x1xf32>
      %swap3A_70 = arith.constant 0 : index
      %swap3A_71 = arith.constant 0 : index
      %swap3A_72 = vector.load %arg6[%swap3A_70, %swap3A_71] : memref<1024x1xf32, #tpu.memory_space<vmem>>, vector<1024x1xf32>
      tpu.vector_store %arg6[%swap3A_70, %swap3A_71], %add3A_69 {strides = array<i32>} : memref<1024x1xf32, #tpu.memory_space<vmem>>, vector<1024x1xf32>,
      %get3A_73 = arith.constant 0 : index
      %get3A_74 = arith.constant 0 : index
      %get3A_75 = vector.load %arg8[%get3A_73, %get3A_74] : memref<1024x1xf32, #tpu.memory_space<vmem>>, vector<1024x1xf32>
      %dot_general3A_76 = arith.constant dense<0.000000e+00> : vector<1024x1xf32>
      %dot_general3A_77 = tpu.matmul %exp23A_63, %convert_element_type3A_16, %dot_general3A_76 {dimension_numbers = #tpu.dot_dimension_numbers<[1], [1], [0], [0], [0, 0, 1, 0], [], []>, transpose_lhs_hint = false} : vector<1024x1024xf32>, vector<1x1024xf32>, vector<1024x1xf32> -> vector<1024x1xf32>
      %add3A_78 = arith.addf %get3A_75, %dot_general3A_77 : vector<1024x1xf32>
      %swap3A_79 = arith.constant 0 : index
      %swap3A_80 = arith.constant 0 : index
      %swap3A_81 = vector.load %arg8[%swap3A_79, %swap3A_80] : memref<1024x1xf32, #tpu.memory_space<vmem>>, vector<1024x1xf32>
      tpu.vector_store %arg8[%swap3A_79, %swap3A_80], %add3A_78 {strides = array<i32>} : memref<1024x1xf32, #tpu.memory_space<vmem>>, vector<1024x1xf32>,
      %lt3A_82 = arith.cmpi slt, %arg0, %arg1 : i32
      %convert_element_type3A_83 = arith.extui %lt3A_82 : i1 to i32
      %cond3A_84 = arith.constant 0 : i32
      %cond3A_85 = arith.cmpi ne, %convert_element_type3A_83, %cond3A_84 : i32
      scf.if %cond3A_85 {
        %get3A_90 = arith.index_cast %arg1 : i32 to index
        %get3A_91 = arith.constant 0 : index
        %get3A_92 = vector.load %arg12[%get3A_90, %get3A_91] : memref<10x1024xf32, #tpu.memory_space<vmem>>, vector<1x1024xf32>
        %reduce_sum3A_93 = arith.constant dense<0.000000e+00> : vector<1024xf32>
        %reduce_sum3A_94 = vector.multi_reduction <add>, %exp23A_60, %reduce_sum3A_93 [0] : vector<1024x1024xf32> to vector<1024xf32>
        %reshape3A_95 = vector.shape_cast %reduce_sum3A_94 : vector<1024xf32> to vector<1x1024xf32>
        %add3A_96 = arith.addf %get3A_92, %reshape3A_95 : vector<1x1024xf32>
        %swap3A_97 = arith.index_cast %arg1 : i32 to index
        %swap3A_98 = arith.constant 0 : index
        %swap3A_99 = vector.load %arg12[%swap3A_97, %swap3A_98] : memref<10x1024xf32, #tpu.memory_space<vmem>>, vector<1x1024xf32>
        tpu.vector_store %arg12[%swap3A_97, %swap3A_98], %add3A_96 {strides = array<i32>} : memref<10x1024xf32, #tpu.memory_space<vmem>>, vector<1x1024xf32>,
        %get3A_100 = arith.index_cast %arg1 : i32 to index
        %get3A_101 = arith.constant 0 : index
        %get3A_102 = vector.load %arg13[%get3A_100, %get3A_101] : memref<10x1024xf32, #tpu.memory_space<vmem>>, vector<1x1024xf32>
        %reduce_sum3A_103 = arith.constant dense<0.000000e+00> : vector<1024xf32>
        %reduce_sum3A_104 = vector.multi_reduction <add>, %exp23A_63, %reduce_sum3A_103 [0] : vector<1024x1024xf32> to vector<1024xf32>
        %reshape3A_105 = vector.shape_cast %reduce_sum3A_104 : vector<1024xf32> to vector<1x1024xf32>
        %add3A_106 = arith.addf %get3A_102, %reshape3A_105 : vector<1x1024xf32>
        %swap3A_107 = arith.index_cast %arg1 : i32 to index
        %swap3A_108 = arith.constant 0 : index
        %swap3A_109 = vector.load %arg13[%swap3A_107, %swap3A_108] : memref<10x1024xf32, #tpu.memory_space<vmem>>, vector<1x1024xf32>
        tpu.vector_store %arg13[%swap3A_107, %swap3A_108], %add3A_106 {strides = array<i32>} : memref<10x1024xf32, #tpu.memory_space<vmem>>, vector<1x1024xf32>,
      } else {
      }
      %eq3A_86 = arith.cmpi eq, %arg0, %arg1 : i32
      %convert_element_type3A_87 = arith.extui %eq3A_86 : i1 to i32
      %cond3A_88 = arith.constant 0 : i32
      %cond3A_89 = arith.cmpi ne, %convert_element_type3A_87, %cond3A_88 : i32
      scf.if %cond3A_89 {
        %iota3A_90 = tpu.iota {dimensions = array<i32: 0>} : vector<1024x1024xi32>
        %iota3A_91 = tpu.iota {dimensions = array<i32: 1>} : vector<1024x1024xi32>
        %eq3A_92 = arith.cmpi eq, %iota3A_90, %iota3A_91 : vector<1024x1024xi32>
        %convert_element_type3A_93 = arith.extui %eq3A_92 : vector<1024x1024xi1> to vector<1024x1024xi32>
        %convert_element_type3A_94 = arith.sitofp %convert_element_type3A_93 : vector<1024x1024xi32> to vector<1024x1024xf32>
        %get3A_95 = arith.constant 0 : index
        %get3A_96 = arith.constant 0 : index
        %get3A_97 = vector.load %arg9[%get3A_95, %get3A_96] : memref<1024x1xf32, #tpu.memory_space<vmem>>, vector<1024x1xf32>
        %mul3A_98 = arith.mulf %exp23A_60, %convert_element_type3A_94 : vector<1024x1024xf32>
        %dot_general3A_99 = arith.constant dense<0.000000e+00> : vector<1024x1xf32>
        %dot_general3A_100 = tpu.matmul %mul3A_98, %convert_element_type3A_16, %dot_general3A_99 {dimension_numbers = #tpu.dot_dimension_numbers<[1], [1], [0], [0], [0, 0, 1, 0], [], []>, transpose_lhs_hint = false} : vector<1024x1024xf32>, vector<1x1024xf32>, vector<1024x1xf32> -> vector<1024x1xf32>
        %add3A_101 = arith.addf %get3A_97, %dot_general3A_100 : vector<1024x1xf32>
        %swap3A_102 = arith.constant 0 : index
        %swap3A_103 = arith.constant 0 : index
        %swap3A_104 = vector.load %arg9[%swap3A_102, %swap3A_103] : memref<1024x1xf32, #tpu.memory_space<vmem>>, vector<1024x1xf32>
        tpu.vector_store %arg9[%swap3A_102, %swap3A_103], %add3A_101 {strides = array<i32>} : memref<1024x1xf32, #tpu.memory_space<vmem>>, vector<1024x1xf32>,
        %get3A_105 = arith.constant 0 : index
        %get3A_106 = arith.constant 0 : index
        %get3A_107 = vector.load %arg10[%get3A_105, %get3A_106] : memref<1024x1xf32, #tpu.memory_space<vmem>>, vector<1024x1xf32>
        %mul3A_108 = arith.mulf %dot_general3A_11, %convert_element_type3A_94 : vector<1024x1024xf32>
        %dot_general3A_109 = arith.constant dense<0.000000e+00> : vector<1024x1xf32>
        %dot_general3A_110 = tpu.matmul %mul3A_108, %convert_element_type3A_16, %dot_general3A_109 {dimension_numbers = #tpu.dot_dimension_numbers<[1], [1], [0], [0], [0, 0, 1, 0], [], []>, transpose_lhs_hint = false} : vector<1024x1024xf32>, vector<1x1024xf32>, vector<1024x1xf32> -> vector<1024x1xf32>
        %add3A_111 = arith.addf %get3A_107, %dot_general3A_110 : vector<1024x1xf32>
        %swap3A_112 = arith.constant 0 : index
        %swap3A_113 = arith.constant 0 : index
        %swap3A_114 = vector.load %arg10[%swap3A_112, %swap3A_113] : memref<1024x1xf32, #tpu.memory_space<vmem>>, vector<1024x1xf32>
        tpu.vector_store %arg10[%swap3A_112, %swap3A_113], %add3A_111 {strides = array<i32>} : memref<1024x1xf32, #tpu.memory_space<vmem>>, vector<1024x1xf32>,
        %get3A_115 = arith.constant 0 : index
        %get3A_116 = arith.constant 0 : index
        %get3A_117 = vector.load %arg11[%get3A_115, %get3A_116] : memref<1024x1xf32, #tpu.memory_space<vmem>>, vector<1024x1xf32>
        %mul3A_118 = arith.mulf %exp23A_63, %convert_element_type3A_94 : vector<1024x1024xf32>
        %dot_general3A_119 = arith.constant dense<0.000000e+00> : vector<1024x1xf32>
        %dot_general3A_120 = tpu.matmul %mul3A_118, %convert_element_type3A_16, %dot_general3A_119 {dimension_numbers = #tpu.dot_dimension_numbers<[1], [1], [0], [0], [0, 0, 1, 0], [], []>, transpose_lhs_hint = false} : vector<1024x1024xf32>, vector<1x1024xf32>, vector<1024x1xf32> -> vector<1024x1xf32>
        %add3A_121 = arith.addf %get3A_117, %dot_general3A_120 : vector<1024x1xf32>
        %swap3A_122 = arith.constant 0 : index
        %swap3A_123 = arith.constant 0 : index
        %swap3A_124 = vector.load %arg11[%swap3A_122, %swap3A_123] : memref<1024x1xf32, #tpu.memory_space<vmem>>, vector<1024x1xf32>
        tpu.vector_store %arg11[%swap3A_122, %swap3A_123], %add3A_121 {strides = array<i32>} : memref<1024x1xf32, #tpu.memory_space<vmem>>, vector<1024x1xf32>,
      } else {
      }
    } else {
    }
    return
  }
  func.func @transform_0(%arg0: i32, %arg1: i32) -> (i32, i32) {
    %c0_i32 = arith.constant 0 : i32
    %c0_i32_0 = arith.constant 0 : i32
    return %arg0, %c0_i32 : i32, i32
  }
  func.func @transform_1(%arg0: i32, %arg1: i32) -> (i32, i32) {
    %c0_i32 = arith.constant 0 : i32
    %c0_i32_0 = arith.constant 0 : i32
    return %arg0, %c0_i32 : i32, i32
  }
  func.func @transform_2(%arg0: i32, %arg1: i32) -> (i32, i32) {
    %c0_i32 = arith.constant 0 : i32
    %c0_i32_0 = arith.constant 0 : i32
    return %arg1, %c0_i32 : i32, i32
  }
  func.func @transform_3(%arg0: i32, %arg1: i32) -> (i32, i32) {
    %c0_i32 = arith.constant 0 : i32
    %c0_i32_0 = arith.constant 0 : i32
    return %arg1, %c0_i32 : i32, i32
  }
  func.func @transform_4(%arg0: i32, %arg1: i32) -> (i32, i32) {
    %c0_i32 = arith.constant 0 : i32
    %c0_i32_0 = arith.constant 0 : i32
    return %arg0, %c0_i32 : i32, i32
  }
  func.func @transform_5(%arg0: i32, %arg1: i32) -> (i32, i32) {
    %c0_i32 = arith.constant 0 : i32
    %c0_i32_0 = arith.constant 0 : i32
    return %arg0, %c0_i32 : i32, i32
  }
  func.func @transform_6(%arg0: i32, %arg1: i32) -> (i32, i32) {
    %c0_i32 = arith.constant 0 : i32
    %c0_i32_0 = arith.constant 0 : i32
    return %arg0, %c0_i32 : i32, i32
  }
  func.func @transform_7(%arg0: i32, %arg1: i32) -> (i32, i32) {
    %c0_i32 = arith.constant 0 : i32
    %c0_i32_0 = arith.constant 0 : i32
    return %arg0, %c0_i32 : i32, i32
  }
  func.func @transform_8(%arg0: i32, %arg1: i32) -> (i32, i32) {
    %c0_i32 = arith.constant 0 : i32
    %c0_i32_0 = arith.constant 0 : i32
    return %arg0, %c0_i32 : i32, i32
  }
  func.func @transform_9(%arg0: i32, %arg1: i32) -> (i32, i32) {
    %c0_i32 = arith.constant 0 : i32
    %c0_i32_0 = arith.constant 0 : i32
    return %arg0, %c0_i32 : i32, i32
  }
  func.func @transform_10(%arg0: i32, %arg1: i32) -> (i32, i32) {
    %c0_i32 = arith.constant 0 : i32
    %c0_i32_0 = arith.constant 0 : i32
    %c0_i32_1 = arith.constant 0 : i32
    return %c0_i32, %c0_i32_0 : i32, i32
  }
  func.func @transform_11(%arg0: i32, %arg1: i32) -> (i32, i32) {
    %c0_i32 = arith.constant 0 : i32
    %c0_i32_0 = arith.constant 0 : i32
    %c0_i32_1 = arith.constant 0 : i32
    return %c0_i32, %c0_i32_0 : i32, i32
  }
  func.func @transform_12(%arg0: i32, %arg1: i32) -> (i32, i32) {
    %c0_i32 = arith.constant 0 : i32
    %c0_i32_0 = arith.constant 0 : i32
    %c0_i32_1 = arith.constant 0 : i32
    return %c0_i32, %c0_i32_0 : i32, i32
  }
}

module attributes {stable_mosaic.version = 14 : i64} {
  func.func @_k7_body(%arg0: i32, %arg1: memref<1024x1xf32, #tpu.memory_space<vmem>>, %arg2: memref<1024x1xf32, #tpu.memory_space<vmem>>, %arg3: memref<1024x1xf32, #tpu.memory_space<vmem>>, %arg4: memref<1024x1xf32, #tpu.memory_space<vmem>>, %arg5: memref<1024x1xf32, #tpu.memory_space<vmem>>, %arg6: memref<1024x1xf32, #tpu.memory_space<vmem>>, %arg7: memref<1024x1xf32, #tpu.memory_space<vmem>>, %arg8: memref<1024x1xf32, #tpu.memory_space<vmem>>, %arg9: memref<1024x1xf32, #tpu.memory_space<vmem>>, %arg10: memref<1x1xf32, #tpu.memory_space<smem>>) attributes {dimension_semantics = [#tpu.dimension_semantics<arbitrary>], iteration_bounds = array<i64: 10>, scalar_prefetch = 0 : i64, scratch_operands = 0 : i64, tpu.core_type = #tpu.core_type<tc>, window_params = [{transform_indices = @transform_0, window_bounds = array<i64: 1024, 1>}, {transform_indices = @transform_1, window_bounds = array<i64: 1024, 1>}, {transform_indices = @transform_2, window_bounds = array<i64: 1024, 1>}, {transform_indices = @transform_3, window_bounds = array<i64: 1024, 1>}, {transform_indices = @transform_4, window_bounds = array<i64: 1024, 1>}, {transform_indices = @transform_5, window_bounds = array<i64: 1024, 1>}, {transform_indices = @transform_6, window_bounds = array<i64: 1024, 1>}, {transform_indices = @transform_7, window_bounds = array<i64: 1024, 1>}, {transform_indices = @transform_8, window_bounds = array<i64: 1024, 1>}, {transform_indices = @transform_9, window_bounds = array<i64: 1, 1>}]} {
    %iota3A = tpu.iota {dimensions = array<i32: 0>} : vector<1024x1xi32>
    %mul3A = arith.constant 1024 : i32
    %mul3A_0 = arith.muli %arg0, %mul3A : i32
    %add3A = vector.broadcast %mul3A_0 : i32 to vector<1024x1xi32>
    %add3A_1 = arith.addi %iota3A, %add3A : vector<1024x1xi32>
    %lt3A = arith.constant 10000 : i32
    %lt3A_2 = vector.broadcast %lt3A : i32 to vector<1024x1xi32>
    %lt3A_3 = arith.cmpi slt, %add3A_1, %lt3A_2 : vector<1024x1xi32>
    %convert_element_type3A = arith.extui %lt3A_3 : vector<1024x1xi1> to vector<1024x1xi32>
    %convert_element_type3A_4 = arith.sitofp %convert_element_type3A : vector<1024x1xi32> to vector<1024x1xf32>
    %get3A = arith.constant 0 : index
    %get3A_5 = arith.constant 0 : index
    %get3A_6 = vector.load %arg1[%get3A, %get3A_5] : memref<1024x1xf32, #tpu.memory_space<vmem>>, vector<1024x1xf32>
    %get3A_7 = arith.constant 0 : index
    %get3A_8 = arith.constant 0 : index
    %get3A_9 = vector.load %arg2[%get3A_7, %get3A_8] : memref<1024x1xf32, #tpu.memory_space<vmem>>, vector<1024x1xf32>
    %add3A_10 = arith.addf %get3A_6, %get3A_9 : vector<1024x1xf32>
    %get3A_11 = arith.constant 0 : index
    %get3A_12 = arith.constant 0 : index
    %get3A_13 = vector.load %arg3[%get3A_11, %get3A_12] : memref<1024x1xf32, #tpu.memory_space<vmem>>, vector<1024x1xf32>
    %add3A_14 = arith.addf %add3A_10, %get3A_13 : vector<1024x1xf32>
    %get3A_15 = arith.constant 0 : index
    %get3A_16 = arith.constant 0 : index
    %get3A_17 = vector.load %arg4[%get3A_15, %get3A_16] : memref<1024x1xf32, #tpu.memory_space<vmem>>, vector<1024x1xf32>
    %sub3A = arith.subf %add3A_14, %get3A_17 : vector<1024x1xf32>
    %get3A_18 = arith.constant 0 : index
    %get3A_19 = arith.constant 0 : index
    %get3A_20 = vector.load %arg6[%get3A_18, %get3A_19] : memref<1024x1xf32, #tpu.memory_space<vmem>>, vector<1024x1xf32>
    %get3A_21 = arith.constant 0 : index
    %get3A_22 = arith.constant 0 : index
    %get3A_23 = vector.load %arg7[%get3A_21, %get3A_22] : memref<1024x1xf32, #tpu.memory_space<vmem>>, vector<1024x1xf32>
    %add3A_24 = arith.addf %get3A_20, %get3A_23 : vector<1024x1xf32>
    %get3A_25 = arith.constant 0 : index
    %get3A_26 = arith.constant 0 : index
    %get3A_27 = vector.load %arg8[%get3A_25, %get3A_26] : memref<1024x1xf32, #tpu.memory_space<vmem>>, vector<1024x1xf32>
    %add3A_28 = arith.addf %add3A_24, %get3A_27 : vector<1024x1xf32>
    %get3A_29 = arith.constant 0 : index
    %get3A_30 = arith.constant 0 : index
    %get3A_31 = vector.load %arg9[%get3A_29, %get3A_30] : memref<1024x1xf32, #tpu.memory_space<vmem>>, vector<1024x1xf32>
    %sub3A_32 = arith.subf %add3A_28, %get3A_31 : vector<1024x1xf32>
    %log3A = math.log %sub3A : vector<1024x1xf32>
    %log3A_33 = math.log %sub3A_32 : vector<1024x1xf32>
    %add3A_34 = arith.addf %log3A, %log3A_33 : vector<1024x1xf32>
    %mul3A_35 = arith.constant 5.000000e-01 : f32
    %mul3A_36 = vector.broadcast %mul3A_35 : f32 to vector<1024x1xf32>
    %mul3A_37 = arith.mulf %mul3A_36, %add3A_34 : vector<1024x1xf32>
    %get3A_38 = arith.constant 0 : index
    %get3A_39 = arith.constant 0 : index
    %get3A_40 = vector.load %arg5[%get3A_38, %get3A_39] : memref<1024x1xf32, #tpu.memory_space<vmem>>, vector<1024x1xf32>
    %mul3A_41 = arith.constant 0.693147182 : f32
    %mul3A_42 = vector.broadcast %mul3A_41 : f32 to vector<1024x1xf32>
    %mul3A_43 = arith.mulf %mul3A_42, %get3A_40 : vector<1024x1xf32>
    %sub3A_44 = arith.subf %mul3A_37, %mul3A_43 : vector<1024x1xf32>
    %mul3A_45 = arith.mulf %sub3A_44, %convert_element_type3A_4 : vector<1024x1xf32>
    %reduce_sum3A = vector.shape_cast %mul3A_45 : vector<1024x1xf32> to vector<1x1024x1xf32>
    %reduce_sum3A_46 = arith.constant dense<0.000000e+00> : vector<1xf32>
    %reduce_sum3A_47 = vector.multi_reduction <add>, %reduce_sum3A, %reduce_sum3A_46 [1, 2] : vector<1x1024x1xf32> to vector<1xf32>
    %reduce_sum3A_48 = vector.shape_cast %reduce_sum3A_47 : vector<1xf32> to vector<1x1x1xf32>
    %reduce_sum3A_49 = vector.extract %reduce_sum3A_48[0, 0, 0] : f32 from vector<1x1x1xf32>
    %eq3A = arith.constant 0 : i32
    %eq3A_50 = arith.cmpi eq, %arg0, %eq3A : i32
    %convert_element_type3A_51 = arith.extui %eq3A_50 : i1 to i32
    %cond3A = arith.constant 0 : i32
    %cond3A_52 = arith.cmpi ne, %convert_element_type3A_51, %cond3A : i32
    scf.if %cond3A_52 {
      %swap3A_61 = arith.constant 0.000000e+00 : f32
      %swap3A_62 = arith.constant 0 : index
      %swap3A_63 = arith.constant 0 : index
      %swap3A_64 = memref.load %arg10[%swap3A_62, %swap3A_63] : memref<1x1xf32, #tpu.memory_space<smem>>
      memref.store %swap3A_61, %arg10[%swap3A_62, %swap3A_63] : memref<1x1xf32, #tpu.memory_space<smem>>
    } else {
    }
    %get3A_53 = arith.constant 0 : index
    %get3A_54 = arith.constant 0 : index
    %get3A_55 = memref.load %arg10[%get3A_53, %get3A_54] : memref<1x1xf32, #tpu.memory_space<smem>>
    %mul3A_56 = arith.constant 9.99999974E-5 : f32
    %mul3A_57 = arith.mulf %reduce_sum3A_49, %mul3A_56 : f32
    %add3A_58 = arith.addf %get3A_55, %mul3A_57 : f32
    %swap3A = arith.constant 0 : index
    %swap3A_59 = arith.constant 0 : index
    %swap3A_60 = memref.load %arg10[%swap3A, %swap3A_59] : memref<1x1xf32, #tpu.memory_space<smem>>
    memref.store %add3A_58, %arg10[%swap3A, %swap3A_59] : memref<1x1xf32, #tpu.memory_space<smem>>
    return
  }
  func.func @transform_0(%arg0: i32) -> (i32, i32) {
    %c0_i32 = arith.constant 0 : i32
    %c0_i32_0 = arith.constant 0 : i32
    return %arg0, %c0_i32 : i32, i32
  }
  func.func @transform_1(%arg0: i32) -> (i32, i32) {
    %c0_i32 = arith.constant 0 : i32
    %c0_i32_0 = arith.constant 0 : i32
    return %arg0, %c0_i32 : i32, i32
  }
  func.func @transform_2(%arg0: i32) -> (i32, i32) {
    %c0_i32 = arith.constant 0 : i32
    %c0_i32_0 = arith.constant 0 : i32
    return %arg0, %c0_i32 : i32, i32
  }
  func.func @transform_3(%arg0: i32) -> (i32, i32) {
    %c0_i32 = arith.constant 0 : i32
    %c0_i32_0 = arith.constant 0 : i32
    return %arg0, %c0_i32 : i32, i32
  }
  func.func @transform_4(%arg0: i32) -> (i32, i32) {
    %c0_i32 = arith.constant 0 : i32
    %c0_i32_0 = arith.constant 0 : i32
    return %arg0, %c0_i32 : i32, i32
  }
  func.func @transform_5(%arg0: i32) -> (i32, i32) {
    %c0_i32 = arith.constant 0 : i32
    %c0_i32_0 = arith.constant 0 : i32
    return %arg0, %c0_i32 : i32, i32
  }
  func.func @transform_6(%arg0: i32) -> (i32, i32) {
    %c0_i32 = arith.constant 0 : i32
    %c0_i32_0 = arith.constant 0 : i32
    return %arg0, %c0_i32 : i32, i32
  }
  func.func @transform_7(%arg0: i32) -> (i32, i32) {
    %c0_i32 = arith.constant 0 : i32
    %c0_i32_0 = arith.constant 0 : i32
    return %arg0, %c0_i32 : i32, i32
  }
  func.func @transform_8(%arg0: i32) -> (i32, i32) {
    %c0_i32 = arith.constant 0 : i32
    %c0_i32_0 = arith.constant 0 : i32
    return %arg0, %c0_i32 : i32, i32
  }
  func.func @transform_9(%arg0: i32) -> (i32, i32) {
    %c0_i32 = arith.constant 0 : i32
    %c0_i32_0 = arith.constant 0 : i32
    %c0_i32_1 = arith.constant 0 : i32
    return %c0_i32, %c0_i32_0 : i32, i32
  }
}

</mosaic_0001>

<sc_bundles>
// kernel: kernel.10.cloned.1.call-start
scs
__scs_entry_jumppad:
0x0: {  	(pc) =	sbr.rel $0x88, $3  }
0x1: {  	(tag) =	ssettag $0x0;
	lr =	simm.s32 $0x1  }
0x2: {  	[smem:$0x3F97] =	sst lr;
	_ =	strace $0xD0000000  }
0x3: {  	_ = 	snop  }
0x4: {  	_ = 	snop  }
0x5: {  	_ = 	snop  }
0x6: {  	_ = 	snop  }
0x7: {  	_ = 	snop  }
__scs_overlays_trampoline_lowered:
0x8: {  	[smem:$0x3FA6] =	sst s0  }
0x9: {  	[smem:$0x3FA7] =	sst s1  }
0xa: {  	[smem:$0x3FA8] =	sst s2  }
0xb: {  	[smem:$0x3FA9] =	sst s3  }
0xc: {  	[smem:$0x3FAA] =	sst s4  }
0xd: {  	[smem:$0x3FAB] =	sst s5  }
0xe: {  	[smem:$0x3FAC] =	sst s6  }
0xf: {  	[smem:$0x3FAD] =	sst s7  }
0x10: {  	[smem:$0x3FAE] =	sst s8  }
0x11: {  	[smem:$0x3FAF] =	sst s9;
	s0 =	simm.s32 @!p0 $0x0  }
0x12: {  	s1 =	sld [smem:$0x3F95];
	s0 =	simm.s32 @p0 $0x1  }
0x13: {  	[smem:$0x3FB0] =	sst s0;
	s0 =	simm.s32 @!p1 $0x0  }
0x14: {  	s2 =	sld [smem:$0x3F94];
	s0 =	simm.s32 @p1 $0x1  }
0x15: {  	[smem:$0x3FB1] =	sst s0;
	s0 =	simm.s32 @!p2 $0x0  }
0x16: {  	s3 =	sld [smem:$0x3FDB];
	s0 =	simm.s32 @p2 $0x1  }
0x17: {  	s4 =	simm.s32 $0x1BF5;
	[smem:$0x3FB3] =	sst s0  }
0x18: {  	s0 =	sld [smem:$0x3F96];
	_ =	swait.ge [sflag:s4], $0x0  }
0x19: {  	s7 =	sld [smem:$0x3F97]  }
0x1a: {  	s8 =	sadd.s32 $0xFFFFE003, lr  }
0x1b: {  	s9 =	sadd.s32 $0xFFFFFEF7, lr;
	s5 =	simm.s32 $0xFFFFFFFF;
	p2 =	slt.u32 s8, $0xFFFFF086  }
0x1c: {  	p1 =	slt.u32 s9, $0xF7A;
	s5 =	simm.s32 @!p2 $0x0  }
0x1d: {  	s5 =	simm.s32 @p1 $0x1;
	p0 =	seq.s32 s7, s2  }
0x1e: {  	s7 =	smul.u32 @!p0 $0xF7A, s2;
	p2 =	seq.s32 @!p0 s5, $0x0  }
0x1f: {  	s9 =	smul.u32 $0xF7A, s1;
	s8 =	simm.s32 @!p0 $0x1BF5;
	p2 =	por !p2, p0  }
0x20: {  	[sflag:s8] =	ssyncset.s32 @!p0 $0xFFFFF086;
	s6 =	sadd.s32 @!p0 s3, s7;
	s7 =	simm.s32 @!p0 $0x108  }
0x21: {  	s3 =	sadd.s32 s3, s9;
	s6 =	sadd.s32 @!p0 $0x88, s6;
	s7 =	simm.s32 @p2 $0x1082  }
0x22: {  	[simem:s7], [sflag:s8] =	dma.local @!p0 [hbm:s6], $0xF7A  }
0x23: {  	s9 =	sor.u32 $0xD0000000, s2;
	s6 =	simm.s32 $0x108;
	_ =	swait.ge @!p0 [sflag:s8], $0x0  }
0x24: {  	s3 =	sadd.s32 $0x88, s3;
	s6 =	simm.s32 @!p1 $0x1082;
	[sflag:s4] =	ssyncset.s32 $0xFFFFF086  }
0x25: {  	[simem:s6], [sflag:s4] =	dma.local [hbm:s3], $0xF7A  }
0x26: {  	[smem:$0x3F97] =	sst s1;
	(tag) =	ssettag s2;
	_ =	strace s9  }
0x27: {  	s1 =	sld [smem:$0x3FA7]  }
0x28: {  	s2 =	sld [smem:$0x3FA8]  }
0x29: {  	s4 =	sld [smem:$0x3FAA]  }
0x2a: {  	p0 =	seq.s32 s5, $0x0;
	s5 =	sld [smem:$0x3FAB]  }
0x2b: {  	s6 =	sld [smem:$0x3FAC]  }
0x2c: {  	s7 =	sld [smem:$0x3FAD]  }
0x2d: {  	s3 =	simm.s32 $0x108;
	s8 =	sld [smem:$0x3FAE]  }
0x2e: {  	s3 =	simm.s32 @!p0 $0x1082;
	s9 =	sld [smem:$0x3FAF]  }
0x2f: {  	lr =	sadd.s32 s0, s3;
	s0 =	sld [smem:$0x3FA6]  }
0x30: {  	s3 =	sld [smem:$0x3FA9]  }
0x31: {  	[smem:$0x3FB2] =	sst s10  }
0x32: {  	s10 =	sld [smem:$0x3FB0];
	_ =	sdelay $0x3  }
0x33: {  	p0 =	seq.s32 s10, $0x1;
	s10 =	sld [smem:$0x3FB2];
	_ =	sdelay $0x3  }
0x34: {  	[smem:$0x3FB2] =	sst s10  }
0x35: {  	s10 =	sld [smem:$0x3FB1];
	_ =	sdelay $0x3  }
0x36: {  	p1 =	seq.s32 s10, $0x1;
	s10 =	sld [smem:$0x3FB2];
	_ =	sdelay $0x3  }
0x37: {  	[smem:$0x3FB2] =	sst s10  }
0x38: {  	s10 =	sld [smem:$0x3FB3]  }
0x39: {  	_ = 	snop;
	(pc) =	sbr.ind lr, $3  }
0x3a: {  	_ = 	snop  }
0x3b: {  	_ = 	snop  }
0x3c: {  	p2 =	seq.s32 s10, $0x1;
	s10 =	sld [smem:$0x3FB2]  }
0x3d: {  	_ =	shalt  }
0x3e: {  	_ =	shalt  }
0x3f: {  	_ =	shalt  }
0x40: {  	_ =	shalt  }
0x41: {  	_ =	shalt  }
0x42: {  	_ =	shalt  }
0x43: {  	_ =	shalt  }
0x44: {  	_ =	shalt  }
0x45: {  	_ =	shalt  }
0x46: {  	_ =	shalt  }
0x47: {  	_ =	shalt  }
0x48: {  	_ =	shalt  }
0x49: {  	_ =	shalt  }
0x4a: {  	_ =	shalt  }
0x4b: {  	_ =	shalt  }
0x4c: {  	_ =	shalt  }
0x4d: {  	_ =	shalt  }
0x4e: {  	_ =	shalt  }
0x4f: {  	_ =	shalt  }
0x50: {  	_ =	shalt  }
0x51: {  	_ =	shalt  }
0x52: {  	_ =	shalt  }
0x53: {  	_ =	shalt  }
0x54: {  	_ =	shalt  }
0x55: {  	_ =	shalt  }
0x56: {  	_ =	shalt  }
0x57: {  	_ =	shalt  }
0x58: {  	_ =	shalt  }
0x59: {  	_ =	shalt  }
0x5a: {  	_ =	shalt  }
0x5b: {  	_ =	shalt  }
0x5c: {  	_ =	shalt  }
0x5d: {  	_ =	shalt  }
0x5e: {  	_ =	shalt  }
0x5f: {  	_ =	shalt  }
0x60: {  	_ =	shalt  }
0x61: {  	_ =	shalt  }
0x62: {  	_ =	shalt  }
0x63: {  	_ =	shalt  }
0x64: {  	_ =	shalt  }
0x65: {  	_ =	shalt  }
0x66: {  	_ =	shalt  }
0x67: {  	_ =	shalt  }
0x68: {  	_ =	shalt  }
0x69: {  	_ =	shalt  }
0x6a: {  	_ =	shalt  }
0x6b: {  	_ =	shalt  }
0x6c: {  	_ =	shalt  }
0x6d: {  	_ =	shalt  }
0x6e: {  	_ =	shalt  }
0x6f: {  	_ =	shalt  }
0x70: {  	_ =	shalt  }
0x71: {  	_ =	shalt  }
0x72: {  	_ =	shalt  }
0x73: {  	_ =	shalt  }
0x74: {  	_ =	shalt  }
0x75: {  	_ =	shalt  }
0x76: {  	_ =	shalt  }
0x77: {  	_ =	shalt  }
0x78: {  	_ =	shalt  }
0x79: {  	_ =	shalt  }
0x7a: {  	_ =	shalt  }
0x7b: {  	_ =	shalt  }
0x7c: {  	_ =	shalt  }
0x7d: {  	_ =	shalt  }
0x7e: {  	_ =	shalt  }
0x7f: {  	_ =	shalt  }
0x80: {  	_ =	shalt  }
0x81: {  	_ =	shalt  }
0x82: {  	_ =	shalt  }
0x83: {  	_ =	shalt  }
0x84: {  	_ =	shalt  }
0x85: {  	_ =	shalt  }
0x86: {  	_ =	shalt  }
0x87: {  	_ =	shalt  }
.Lfunc_end0:
.L_simem_size_0:
called_computation_lowered:
.L_overlay_start_0:
0x88: {  	s2 =	sld [smem:$0x3FD9]  }
0x89: {  	s3 =	sld [smem:$0x3FFE];
	_ =	sdelay $0x1  }
0x8a: {  	s1 =	srdreg.scid  }
0x8b: {  	s0 =	sand.u32 $0x1, s1  }
0x8c: {  	s16 =	sshll.u32 s0, $0xA;
	s2 =	sadd.s32 s3, s2  }
0x8d: {  	s2 =	sadd.s32 s2, s16  }
0x8e: {  	[smem:$0x3FBE] =	sst s2  }
0x8f: {  	_ = 	snop  }
0x90: {  	(tm) =	ssettm $0x1  }
0x91: {  	s17 =	sld [smem:$0x3FFB];
	_ =	sdelay $0x3  }
0x92: {  	_ =	strace s17  }
0x93: {  	s2 =	sld [smem:$0x3FFC];
	_ =	sdelay $0x3  }
0x94: {  	_ =	strace s2  }
0x95: {  	s2 =	sld [smem:$0x3FFD];
	_ =	sdelay $0x3  }
0x96: {  	_ =	strace s2  }
0x97: {  	_ =	strace $0x8FFFFFFF  }
0x98: {  	s18 =	sld [smem:$0x3FDB];
	_ =	sdelay $0x1  }
0x99: {  	s19 =	simm.s32 $_scs_section_size  }
0x9a: {  	s4 =	simm.s32 $_size__tile_overlayer_lowered;
	s5 =	simm.s32 $_tile_overlayer_lowered  }
0x9b: {  	s22 =	simm.s32 $0x1BFF;
	s21 =	sshll.u32 s5, $0x1;
	s2 =	sadd.s32 s19, s18  }
0x9c: {  	s6 =	simm.s32 $0x0;
	s20 =	sshll.u32 s4, $0x1;
	s4 =	sadd.s32 s21, s2  }
0x9d: {  	[timem:s6], [sflag:s22] =	dma.local [hbm:s4], s20  }
0x9e: {  	_ =	swait.ge [sflag:s22], s20  }
0x9f: {  	s3 =	ssub.s32 $0x0, s20;
	[sflag:s22] =	ssyncset.done $0x0  }
0xa0: {  	[sflag:s22] =	ssyncadd.s32 s3;
	_ =	sdelay $0x1  }
0xa1: {  	s23 =	simm.s32 $0x1B8B  }
0xa2: {  	_ =	swait.ge [sflag:s23], $0x1  }
0xa3: {  	[sflag:s23] =	ssyncset.done $0x0  }
0xa4: {  	s25 =	simm.s32 $0x1B8E;
	s24 =	sld [smem:$0x3FFE];
	[sflag:s23] =	ssyncadd.s32 $0xFFFFFFFF  }
0xa5: {  	s26 =	simm.s32 $execute0_lowered;
	[smem:$0x3FD2] =	sst s25  }
0xa6: {  	s4 =	sshll.u32 s26, $0x1;
	_ =	strace $0x80000046;
	[dreg:$0x1] =	wrdreg $0xFFFFFFFF  }
0xa7: {  	s28 =	simm.s32 $_size_execute0_lowered;
	s2 =	sadd.s32 s2, s4;
	[dreg:$0x0] =	wrdreg $0x0  }
0xa8: {  	s4 =	sshll.u32 s28, $0x1;
	[dreg:$0x2] =	wrdreg s2  }
0xa9: {  	[dreg:$0x3] =	wrdreg s4  }
0xaa: {  	[dreg:$0x4] =	wrdreg $0xC0  }
0xab: {  	_ =	task [dreg:s6], $0x5FFFF  }
0xac: {  	[dreg:$0x1] =	wrdreg $0xFFFFFFFF  }
0xad: {  	[dreg:$0x0] =	wrdreg $0x60  }
0xae: {  	[dreg:$0x2] =	wrdreg s24  }
0xaf: {  	[dreg:$0x3] =	wrdreg $0x9  }
0xb0: {  	_ =	task.clear_ibuf [dreg:s6], $0x4FFFF;
	_ =	strace $0x90000046  }
0xb1: {  	s29 =	simm.s32 $0x9;
	_ =	strace $0x80000048  }
0xb2: {  	_ =	swait.ge [sflag:s29], $0x1  }
0xb3: {  	[sflag:s29] =	ssyncadd.s32 $0xFFFFFFFF  }
0xb4: {  	_ =	strace $0x90000048  }
0xb5: {  	_ =	sfence  }
0xb6: {  	s30 =	sld [smem:$0x0];
	_ =	sdelay $0x2  }
0xb7: {  	s31 =	sshll.u32 s1, $0xD;
	s1 =	sshrl.u32 s1, $0x2  }
0xb8: {  	s3 =	sand.u32 $0x4000, s31;
	s1 =	sadd.s32 s1, s30  }
0xb9: {  	s0 =	sor.u32 s3, s0;
	s1 =	sshll.u32 s1, $0x11  }
0xba: {  	s0 =	sor.u32 s1, s0  }
0xbb: {  	s0 =	sadd.s32 $0x8F2B, s0  }
0xbc: {  	[sflag:s0] =	ssyncadd.remote.s32 $0x1  }
0xbd: {  	_ =	sfence.sel $0xFFFF  }
0xbe: {  	[dreg:$0x0] =	wrdreg $0xFFFFFFFF;
	(pc) =	sbr.abs _section_cstart, $3  }
0xbf: {  	[dreg:$0x1] =	wrdreg $0xFFFFFFFF  }
0xc0: {  	_ =	task.clear_ibuf [dreg:s6], $0x2FFFF;
	_ =	strace $0x9FFFFFFF  }
0xc1: {  	(tm) =	ssettm $0x7FFFFFFF  }
tec
execute0_lowered:
.L_overlay_start_1:
0x0: {  	(tag) =	ssettag $0x1  }
0x1: {  	s0 =	srdreg.scid  }
0x2: {  	s5 =	rddreg [dreg:$0x0];
	s3 =	sand.u32 $0x1, s0  }
0x3: {  	s0 =	stileid.u32;
	s4 =	smul.u32 $0x27100, s3  }
0x4: {  	s1 =	rddreg [dreg:$0x1];
	s6 =	smul.u32 $0x2710, s0  }
0x5: {  	s2 =	simm.s32 $0x0;
	s9 =	simm.s32 $0x0;
	s7 =	smul.u32 $0x50000, s3  }
0x6: {  	[smem:$0x7FF] =	sst s2;
	s8 =	smul.u32 $0x2800, s0;
	s3 =	ssub.s32 $0x2, s3  }
0x7: {  	_ =	strace $0x80000047;
	s29 =	sshrl.u32 s3, $0x1;
	s4 =	sadd.s32 s6, s4  }
0x8: {  	s26 =	sadd.s32 s7, s8;
	s30 =	ssub.s32 s3, s29;
	s3 =	smul.u32 $0x50, s0  }
0x9: {  	s7 =	simm.s32 $0x1;
	s4 =	sshrl.u32 s4, $0x3;
	s6 =	sshrl.u32 s26, $0x3  }
0xa: {  	s8 =	simm.s32 $0x2800;
	s28 =	sadd.s32 s4, s5;
	s31 =	sadd.s32 s5, s6  }
0xb: {  	v0 =	vimm.f32 $0.0e+00;
	s6 =	smax.u32 s30, $0x1;
	s4 =	sadd.s32 $0x8800, s31;
	s5 =	sadd.s32 $0x17800, s28  }
.LBB2_1:
0xc: {  	s10 =	simm.s32 $0x40;
	s11 =	simm.s32 $0x0  }
.LBB2_2:
0xd: {  	p0 =	sne.s32 s10, $0x9FC0;
	[tilespmem:s11+$0x2800] =	vst v0;
	s11 =	smov.u32 s10;
	s10 =	sadd.s32 $0x40, s10  }
.Ltmp0:
0xe: {  	(pc) =	sbr.rel @p0 .LBB2_2-.Ltmp0, $2  }
0xf: {  	_ =	sdelay $0x2  }
0x10: {  	s11 =	sshra.s32 s11, $0x2  }
0x11: {  	[tilespmem:s11+$0x2800] =	vst v0;
	s10 =	simm.s32 $0x0  }
0x12: {  	[tilespmem:s10], [sflag:$0x1] =	stream.linear.gather [hbm4b:s4+s10], $0x2800, $0x38;
	[tilespmem:$0x5000] =	vst v63  }
0x13: {  	_ =	swait.ge [sflag:s7], $0x2800  }
0x14: {  	[sflag:s7] =	ssyncset.done $0x0  }
0x15: {  	s11 =	simm.s32 $0x40;
	[sflag:s7] =	ssyncadd.s32 $0xFFFFD800  }
.LBB2_4:
0x16: {  	s12 =	sadd.s32 s10, s3  }
0x17: {  	p0 =	sgt.u32 s12, $0x4E1  }
0x18: {  	v1 =	vld @!p0 [tilespmem:s11+$0xFFFFFFC0];
	_ =	sdelay $0x6  }
0x19: {  	v2 =	vimm.f32 @!p0 $1.000000000e+00;
	s12 =	simm.s32 @!p0 $0x2800  }
0x1a: {  	[tilespmem:v1+s12+$0x0] =	vst.idx.add.f32.msk @!p0 $0xffff, v2  }
0x1b: {  	v1 =	vld @!p0 [tilespmem:s11+$0xFFFFFFD0];
	_ =	sdelay $0x7  }
0x1c: {  	[tilespmem:v1+s12+$0x0] =	vst.idx.add.f32.msk @!p0 $0xffff, v2  }
0x1d: {  	v1 =	vld @!p0 [tilespmem:s11+$0xFFFFFFE0];
	_ =	sdelay $0x7  }
0x1e: {  	[tilespmem:v1+s12+$0x0] =	vst.idx.add.f32.msk @!p0 $0xffff, v2  }
0x1f: {  	v1 =	vld @!p0 [tilespmem:s11+$0xFFFFFFF0];
	_ =	sdelay $0x7  }
0x20: {  	[tilespmem:v1+s12+$0x0] =	vst.idx.add.f32.msk @!p0 $0xffff, v2  }
0x21: {  	v1 =	vld @!p0 [tilespmem:s11+$0x0];
	_ =	sdelay $0x7  }
0x22: {  	[tilespmem:v1+s12+$0x0] =	vst.idx.add.f32.msk @!p0 $0xffff, v2  }
0x23: {  	v1 =	vld @!p0 [tilespmem:s11+$0x10];
	_ =	sdelay $0x7  }
0x24: {  	[tilespmem:v1+s12+$0x0] =	vst.idx.add.f32.msk @!p0 $0xffff, v2  }
0x25: {  	v1 =	vld @!p0 [tilespmem:s11+$0x20];
	_ =	sdelay $0x7  }
0x26: {  	[tilespmem:v1+s12+$0x0] =	vst.idx.add.f32.msk @!p0 $0xffff, v2  }
0x27: {  	v1 =	vld @!p0 [tilespmem:s11+$0x30];
	_ =	sdelay $0x1  }
0x28: {  	s10 =	sadd.s32 $0x1, s10  }
0x29: {  	p1 =	sne.s32 s10, $0x50  }
.Ltmp1:
0x2a: {  	_ = 	snop;
	(pc) =	sbr.rel @p1 .LBB2_4-.Ltmp1, $2  }
0x2b: {  	_ =	sdelay $0x2  }
0x2c: {  	s11 =	sadd.s32 $0x80, s11;
	[tilespmem:v1+s12+$0x0] =	vst.idx.add.f32.msk @!p0 $0xffff, v2  }
0x2d: {  	s9 =	sadd.s32 $0x1, s9  }
0x2e: {  	p0 =	sne.s32 s9, s6  }
.Ltmp2:
0x2f: {  	_ = 	snop;
	(pc) =	sbr.rel @p0 .LBB2_1-.Ltmp2, $4  }
0x30: {  	[hbm4b:s5+s2] =	stream.linear.scatter [tilespmem:s8], [sflag:$0x1], $0x2710, $0x38;
	[tilespmem:$0x5000] =	vst v63  }
0x31: {  	_ =	swait.ge [sflag:s7], $0x2710  }
0x32: {  	[sflag:s7] =	ssyncset.done $0x0  }
0x33: {  	[sflag:s7] =	ssyncadd.s32 $0xFFFFD8F0  }
0x34: {  	_ =	sfence.sel $0x180000  }
0x35: {  	[bflag:$0x0] =	sbarrier.arrive $0xFFFF  }
0x36: {  	p0 =	sne.s32 s0, $0x0;
	_ =	strace $0x90000047  }
0x37: {  	s0 =	sadd.s32 @!p0 $0x100000, s1;
	[bflag:$0x2] =	sbarrier.arrive $0xFFFF  }
0x38: {  	[sflag:s0] =	ssyncadd.tile.s32 @!p0 $0x1;
	_ =	shalt  }
.Lfunc_end2:
_tile_overlayer_lowered:
.L_overlay_start_2:
0x39: {  	(tag) =	ssettag $0x2  }
0x3a: {  	s0 =	rddreg [dreg:$0x0];
	s2 =	stileid.u32  }
0x3b: {  	s1 =	rddreg [dreg:$0x1];
	p0 =	sne.s32 s2, $0x0  }
0x3c: {  	s3 =	rddreg [dreg:$0x2];
	[bflag:$0x3] =	sbarrier.arrive $0xFFFF;
	s2 =	simm.s32 @!p0 $0x1C01  }
0x3d: {  	[timem:s3], [sflag:s2] =	dma.local @!p0 [hbm:s0], s1  }
0x3e: {  	s0 =	simm.s32 @!p0 $0x1  }
0x3f: {  	_ =	swait.ge @!p0 [sflag:s0], s1  }
0x40: {  	s1 =	ssub.s32 @!p0 $0x0, s1;
	[sflag:s0] =	ssyncset.done @!p0 $0x0  }
0x41: {  	[sflag:s0] =	ssyncadd.s32 @!p0 s1  }
0x42: {  	[bflag:$0x3] =	sbarrier.arrive $0xFFFF  }
0x43: {  	_ =	shalt  }

// kernel: kernel.13.cloned.1.call-start
scs
__scs_entry_jumppad:
0x0: {  	(pc) =	sbr.rel $0x88, $3  }
0x1: {  	(tag) =	ssettag $0x0;
	lr =	simm.s32 $0x1  }
0x2: {  	[smem:$0x3F97] =	sst lr;
	_ =	strace $0xD0000000  }
0x3: {  	_ = 	snop  }
0x4: {  	_ = 	snop  }
0x5: {  	_ = 	snop  }
0x6: {  	_ = 	snop  }
0x7: {  	_ = 	snop  }
__scs_overlays_trampoline_lowered:
0x8: {  	[smem:$0x3FA6] =	sst s0  }
0x9: {  	[smem:$0x3FA7] =	sst s1  }
0xa: {  	[smem:$0x3FA8] =	sst s2  }
0xb: {  	[smem:$0x3FA9] =	sst s3  }
0xc: {  	[smem:$0x3FAA] =	sst s4  }
0xd: {  	[smem:$0x3FAB] =	sst s5  }
0xe: {  	[smem:$0x3FAC] =	sst s6  }
0xf: {  	[smem:$0x3FAD] =	sst s7  }
0x10: {  	[smem:$0x3FAE] =	sst s8  }
0x11: {  	[smem:$0x3FAF] =	sst s9;
	s0 =	simm.s32 @!p0 $0x0  }
0x12: {  	s1 =	sld [smem:$0x3F95];
	s0 =	simm.s32 @p0 $0x1  }
0x13: {  	[smem:$0x3FB0] =	sst s0;
	s0 =	simm.s32 @!p1 $0x0  }
0x14: {  	s2 =	sld [smem:$0x3F94];
	s0 =	simm.s32 @p1 $0x1  }
0x15: {  	[smem:$0x3FB1] =	sst s0;
	s0 =	simm.s32 @!p2 $0x0  }
0x16: {  	s3 =	sld [smem:$0x3FDB];
	s0 =	simm.s32 @p2 $0x1  }
0x17: {  	s4 =	simm.s32 $0x1BF5;
	[smem:$0x3FB3] =	sst s0  }
0x18: {  	s0 =	sld [smem:$0x3F96];
	_ =	swait.ge [sflag:s4], $0x0  }
0x19: {  	s7 =	sld [smem:$0x3F97]  }
0x1a: {  	s8 =	sadd.s32 $0xFFFFE003, lr  }
0x1b: {  	s9 =	sadd.s32 $0xFFFFFEF7, lr;
	s5 =	simm.s32 $0xFFFFFFFF;
	p2 =	slt.u32 s8, $0xFFFFF086  }
0x1c: {  	p1 =	slt.u32 s9, $0xF7A;
	s5 =	simm.s32 @!p2 $0x0  }
0x1d: {  	s5 =	simm.s32 @p1 $0x1;
	p0 =	seq.s32 s7, s2  }
0x1e: {  	s7 =	smul.u32 @!p0 $0xF7A, s2;
	p2 =	seq.s32 @!p0 s5, $0x0  }
0x1f: {  	s9 =	smul.u32 $0xF7A, s1;
	s8 =	simm.s32 @!p0 $0x1BF5;
	p2 =	por !p2, p0  }
0x20: {  	[sflag:s8] =	ssyncset.s32 @!p0 $0xFFFFF086;
	s6 =	sadd.s32 @!p0 s3, s7;
	s7 =	simm.s32 @!p0 $0x108  }
0x21: {  	s3 =	sadd.s32 s3, s9;
	s6 =	sadd.s32 @!p0 $0x88, s6;
	s7 =	simm.s32 @p2 $0x1082  }
0x22: {  	[simem:s7], [sflag:s8] =	dma.local @!p0 [hbm:s6], $0xF7A  }
0x23: {  	s9 =	sor.u32 $0xD0000000, s2;
	s6 =	simm.s32 $0x108;
	_ =	swait.ge @!p0 [sflag:s8], $0x0  }
0x24: {  	s3 =	sadd.s32 $0x88, s3;
	s6 =	simm.s32 @!p1 $0x1082;
	[sflag:s4] =	ssyncset.s32 $0xFFFFF086  }
0x25: {  	[simem:s6], [sflag:s4] =	dma.local [hbm:s3], $0xF7A  }
0x26: {  	[smem:$0x3F97] =	sst s1;
	(tag) =	ssettag s2;
	_ =	strace s9  }
0x27: {  	s1 =	sld [smem:$0x3FA7]  }
0x28: {  	s2 =	sld [smem:$0x3FA8]  }
0x29: {  	s4 =	sld [smem:$0x3FAA]  }
0x2a: {  	p0 =	seq.s32 s5, $0x0;
	s5 =	sld [smem:$0x3FAB]  }
0x2b: {  	s6 =	sld [smem:$0x3FAC]  }
0x2c: {  	s7 =	sld [smem:$0x3FAD]  }
0x2d: {  	s3 =	simm.s32 $0x108;
	s8 =	sld [smem:$0x3FAE]  }
0x2e: {  	s3 =	simm.s32 @!p0 $0x1082;
	s9 =	sld [smem:$0x3FAF]  }
0x2f: {  	lr =	sadd.s32 s0, s3;
	s0 =	sld [smem:$0x3FA6]  }
0x30: {  	s3 =	sld [smem:$0x3FA9]  }
0x31: {  	[smem:$0x3FB2] =	sst s10  }
0x32: {  	s10 =	sld [smem:$0x3FB0];
	_ =	sdelay $0x3  }
0x33: {  	p0 =	seq.s32 s10, $0x1;
	s10 =	sld [smem:$0x3FB2];
	_ =	sdelay $0x3  }
0x34: {  	[smem:$0x3FB2] =	sst s10  }
0x35: {  	s10 =	sld [smem:$0x3FB1];
	_ =	sdelay $0x3  }
0x36: {  	p1 =	seq.s32 s10, $0x1;
	s10 =	sld [smem:$0x3FB2];
	_ =	sdelay $0x3  }
0x37: {  	[smem:$0x3FB2] =	sst s10  }
0x38: {  	s10 =	sld [smem:$0x3FB3]  }
0x39: {  	_ = 	snop;
	(pc) =	sbr.ind lr, $3  }
0x3a: {  	_ = 	snop  }
0x3b: {  	_ = 	snop  }
0x3c: {  	p2 =	seq.s32 s10, $0x1;
	s10 =	sld [smem:$0x3FB2]  }
0x3d: {  	_ =	shalt  }
0x3e: {  	_ =	shalt  }
0x3f: {  	_ =	shalt  }
0x40: {  	_ =	shalt  }
0x41: {  	_ =	shalt  }
0x42: {  	_ =	shalt  }
0x43: {  	_ =	shalt  }
0x44: {  	_ =	shalt  }
0x45: {  	_ =	shalt  }
0x46: {  	_ =	shalt  }
0x47: {  	_ =	shalt  }
0x48: {  	_ =	shalt  }
0x49: {  	_ =	shalt  }
0x4a: {  	_ =	shalt  }
0x4b: {  	_ =	shalt  }
0x4c: {  	_ =	shalt  }
0x4d: {  	_ =	shalt  }
0x4e: {  	_ =	shalt  }
0x4f: {  	_ =	shalt  }
0x50: {  	_ =	shalt  }
0x51: {  	_ =	shalt  }
0x52: {  	_ =	shalt  }
0x53: {  	_ =	shalt  }
0x54: {  	_ =	shalt  }
0x55: {  	_ =	shalt  }
0x56: {  	_ =	shalt  }
0x57: {  	_ =	shalt  }
0x58: {  	_ =	shalt  }
0x59: {  	_ =	shalt  }
0x5a: {  	_ =	shalt  }
0x5b: {  	_ =	shalt  }
0x5c: {  	_ =	shalt  }
0x5d: {  	_ =	shalt  }
0x5e: {  	_ =	shalt  }
0x5f: {  	_ =	shalt  }
0x60: {  	_ =	shalt  }
0x61: {  	_ =	shalt  }
0x62: {  	_ =	shalt  }
0x63: {  	_ =	shalt  }
0x64: {  	_ =	shalt  }
0x65: {  	_ =	shalt  }
0x66: {  	_ =	shalt  }
0x67: {  	_ =	shalt  }
0x68: {  	_ =	shalt  }
0x69: {  	_ =	shalt  }
0x6a: {  	_ =	shalt  }
0x6b: {  	_ =	shalt  }
0x6c: {  	_ =	shalt  }
0x6d: {  	_ =	shalt  }
0x6e: {  	_ =	shalt  }
0x6f: {  	_ =	shalt  }
0x70: {  	_ =	shalt  }
0x71: {  	_ =	shalt  }
0x72: {  	_ =	shalt  }
0x73: {  	_ =	shalt  }
0x74: {  	_ =	shalt  }
0x75: {  	_ =	shalt  }
0x76: {  	_ =	shalt  }
0x77: {  	_ =	shalt  }
0x78: {  	_ =	shalt  }
0x79: {  	_ =	shalt  }
0x7a: {  	_ =	shalt  }
0x7b: {  	_ =	shalt  }
0x7c: {  	_ =	shalt  }
0x7d: {  	_ =	shalt  }
0x7e: {  	_ =	shalt  }
0x7f: {  	_ =	shalt  }
0x80: {  	_ =	shalt  }
0x81: {  	_ =	shalt  }
0x82: {  	_ =	shalt  }
0x83: {  	_ =	shalt  }
0x84: {  	_ =	shalt  }
0x85: {  	_ =	shalt  }
0x86: {  	_ =	shalt  }
0x87: {  	_ =	shalt  }
.Lfunc_end0:
.L_simem_size_0:
called_computation.1_lowered:
.L_overlay_start_0:
0x88: {  	s2 =	sld [smem:$0x3FD9]  }
0x89: {  	s3 =	sld [smem:$0x3FFE];
	_ =	sdelay $0x1  }
0x8a: {  	s1 =	srdreg.scid  }
0x8b: {  	s0 =	sand.u32 $0x1, s1  }
0x8c: {  	s16 =	sshll.u32 s0, $0xA;
	s2 =	sadd.s32 s3, s2  }
0x8d: {  	s2 =	sadd.s32 s2, s16  }
0x8e: {  	[smem:$0x3FBE] =	sst s2  }
0x8f: {  	_ = 	snop  }
0x90: {  	(tm) =	ssettm $0x1  }
0x91: {  	s17 =	sld [smem:$0x3FFB];
	_ =	sdelay $0x3  }
0x92: {  	_ =	strace s17  }
0x93: {  	s2 =	sld [smem:$0x3FFC];
	_ =	sdelay $0x3  }
0x94: {  	_ =	strace s2  }
0x95: {  	s2 =	sld [smem:$0x3FFD];
	_ =	sdelay $0x3  }
0x96: {  	_ =	strace s2  }
0x97: {  	_ =	strace $0x8FFFFFFF  }
0x98: {  	s18 =	sld [smem:$0x3FDB];
	_ =	sdelay $0x1  }
0x99: {  	s19 =	simm.s32 $_scs_section_size  }
0x9a: {  	s4 =	simm.s32 $_size__tile_overlayer_lowered;
	s5 =	simm.s32 $_tile_overlayer_lowered  }
0x9b: {  	s22 =	simm.s32 $0x1BFF;
	s21 =	sshll.u32 s5, $0x1;
	s2 =	sadd.s32 s19, s18  }
0x9c: {  	s6 =	simm.s32 $0x0;
	s20 =	sshll.u32 s4, $0x1;
	s4 =	sadd.s32 s21, s2  }
0x9d: {  	[timem:s6], [sflag:s22] =	dma.local [hbm:s4], s20  }
0x9e: {  	_ =	swait.ge [sflag:s22], s20  }
0x9f: {  	s3 =	ssub.s32 $0x0, s20;
	[sflag:s22] =	ssyncset.done $0x0  }
0xa0: {  	[sflag:s22] =	ssyncadd.s32 s3;
	_ =	sdelay $0x1  }
0xa1: {  	s23 =	simm.s32 $0x1B8B  }
0xa2: {  	_ =	swait.ge [sflag:s23], $0x1  }
0xa3: {  	[sflag:s23] =	ssyncset.done $0x0  }
0xa4: {  	s25 =	simm.s32 $0x1B8E;
	s24 =	sld [smem:$0x3FFE];
	[sflag:s23] =	ssyncadd.s32 $0xFFFFFFFF  }
0xa5: {  	s26 =	simm.s32 $execute0_lowered;
	[smem:$0x3FD2] =	sst s25  }
0xa6: {  	s4 =	sshll.u32 s26, $0x1;
	_ =	strace $0x80000049;
	[dreg:$0x1] =	wrdreg $0xFFFFFFFF  }
0xa7: {  	s28 =	simm.s32 $_size_execute0_lowered;
	s2 =	sadd.s32 s2, s4;
	[dreg:$0x0] =	wrdreg $0x0  }
0xa8: {  	s4 =	sshll.u32 s28, $0x1;
	[dreg:$0x2] =	wrdreg s2  }
0xa9: {  	[dreg:$0x3] =	wrdreg s4  }
0xaa: {  	[dreg:$0x4] =	wrdreg $0xC0  }
0xab: {  	_ =	task [dreg:s6], $0x5FFFF  }
0xac: {  	[dreg:$0x1] =	wrdreg $0xFFFFFFFF  }
0xad: {  	[dreg:$0x0] =	wrdreg $0x60  }
0xae: {  	[dreg:$0x2] =	wrdreg s24  }
0xaf: {  	[dreg:$0x3] =	wrdreg $0xA8000  }
0xb0: {  	[dreg:$0x4] =	wrdreg $0x9  }
0xb1: {  	_ =	task.clear_ibuf [dreg:s6], $0x5FFFF;
	_ =	strace $0x90000049  }
0xb2: {  	s29 =	simm.s32 $0x9;
	_ =	strace $0x8000004B  }
0xb3: {  	_ =	swait.ge [sflag:s29], $0x1  }
0xb4: {  	[sflag:s29] =	ssyncadd.s32 $0xFFFFFFFF  }
0xb5: {  	_ =	strace $0x9000004B  }
0xb6: {  	_ =	sfence  }
0xb7: {  	s30 =	sld [smem:$0x0];
	_ =	sdelay $0x2  }
0xb8: {  	s31 =	sshll.u32 s1, $0xD;
	s1 =	sshrl.u32 s1, $0x2  }
0xb9: {  	s3 =	sand.u32 $0x4000, s31;
	s1 =	sadd.s32 s1, s30  }
0xba: {  	s0 =	sor.u32 s3, s0;
	s1 =	sshll.u32 s1, $0x11  }
0xbb: {  	s0 =	sor.u32 s1, s0  }
0xbc: {  	s0 =	sadd.s32 $0x8F2B, s0  }
0xbd: {  	[sflag:s0] =	ssyncadd.remote.s32 $0x1  }
0xbe: {  	_ =	sfence.sel $0xFFFF  }
0xbf: {  	[dreg:$0x0] =	wrdreg $0xFFFFFFFF;
	(pc) =	sbr.abs _section_cstart, $3  }
0xc0: {  	[dreg:$0x1] =	wrdreg $0xFFFFFFFF  }
0xc1: {  	_ =	task.clear_ibuf [dreg:s6], $0x2FFFF;
	_ =	strace $0x9FFFFFFF  }
0xc2: {  	(tm) =	ssettm $0x7FFFFFFF  }
0xc3: {  	_ =	shalt  }
tec
execute0_lowered:
.L_overlay_start_1:
0x0: {  	(tag) =	ssettag $0x1  }
0x1: {  	s1 =	srdreg.scid  }
0x2: {  	s4 =	sand.u32 $0x1, s1  }
0x3: {  	s1 =	stileid.u32;
	s5 =	smul.u32 $0x28000, s4  }
0x4: {  	s0 =	rddreg [dreg:$0x0];
	s6 =	smul.u32 $0x14000, s1  }
0x5: {  	s2 =	rddreg [dreg:$0x1];
	s3 =	simm.s32 $0x0;
	s7 =	smul.u32 $0x140000, s4  }
0x6: {  	s18 =	simm.s32 $0x2800;
	s19 =	simm.s32 $0x3;
	s17 =	smul.u32 $0x50, s1  }
0x7: {  	s20 =	simm.s32 $0x1400;
	s21 =	simm.s32 $0x80;
	s23 =	smul.u32 $0x50000, s1  }
0x8: {  	s30 =	simm.s32 $0x0;
	[smem:$0x7FF] =	sst s3;
	s8 =	smul.u32 $0x50000, s4  }
0x9: {  	s12 =	sadd.s32 $0x3800, s0;
	_ =	strace $0x8000004A;
	s9 =	smul.u32 $0x2800, s1  }
0xa: {  	s24 =	ssub.s32 $0x2, s4;
	s16 =	smul.u32 $0xA000, s1;
	p0 =	seq.s32 s1, $0xF  }
0xb: {  	s25 =	sshrl.u32 s24, $0x1;
	s11 =	sadd.s32 s5, s0;
	s22 =	sadd.s32 s6, s7  }
0xc: {  	s7 =	sshrl.u32 s23, $0x2;
	s15 =	ssub.s32 s24, s25;
	s4 =	sadd.s32 s6, s2  }
0xd: {  	s28 =	sadd.s32 s9, s8;
	s29 =	sshll.u32 s17, $0x7;
	s16 =	sadd.s32 $0xFFF69000, s16  }
0xe: {  	s17 =	sadd.s32 $0x29, s17;
	s23 =	simm.s32 $0x6800;
	s24 =	simm.s32 $0x4  }
0xf: {  	s25 =	simm.s32 $0x2;
	s5 =	sshrl.u32 s22, $0x3;
	s10 =	sadd.s32 s7, s2  }
0x10: {  	s13 =	sshrl.u32 s28, $0x3;
	s9 =	sadd.s32 s8, s29;
	s11 =	sadd.s32 $0x17800, s11  }
0x11: {  	s15 =	smax.u32 s15, $0x1;
	s22 =	simm.s32 $0x1;
	s0 =	sadd.s32 s5, s0  }
0x12: {  	s26 =	sadd.s32 $0x4000, s10;
	s6 =	sadd.s32 $0x8000, s10;
	s31 =	sadd.s32 $0x1400, s9  }
0x13: {  	s7 =	sadd.s32 $0xC000, s10;
	s8 =	sadd.s32 s12, s13;
	s13 =	sshrl.u32 s31, $0x3  }
0x14: {  	s9 =	sadd.s32 $0x10000, s10;
	[dreg:$0x3] =	wrdreg s26;
	s12 =	sadd.s32 s12, s13  }
0x15: {  	v0 =	vimm.f32 $0.0e+00;
	s10 =	sadd.s32 $0x5000, s8;
	s14 =	sadd.s32 $0x67800, s0;
	s13 =	sadd.s32 $0x5000, s12  }
.LBB2_1:
0x16: {  	s1 =	simm.s32 $0x0  }
0x17: {  	s0 =	sand.u32 $0xFE00, s1  }
0x18: {  	s26 =	sand.u32 $0x70, s1;
	s28 =	sshrl.u32 s0, $0x2  }
0x19: {  	s0 =	simm.s32 $0x40;
	s28 =	sor.u32 s26, s28;
	s26 =	simm.s32 $0x0  }
.LBB2_2:
0x1a: {  	p1 =	sne.s32 s0, $0xFFC0  }
0x1b: {  	[tilespmem:s28+$0x2800] =	vst v0;
	s26 =	sadd.s32 $0x10, s26;
	s28 =	smov.u32 s0;
	s0 =	sadd.s32 $0x40, s0  }
.Ltmp0:
0x1c: {  	(pc) =	sbr.rel @p1 .LBB2_2-.Ltmp0, $4  }
0x1d: {  	_ = 	snop  }
0x1e: {  	s28 =	sand.u32 $0xFE00, s28  }
0x1f: {  	s29 =	sand.u32 $0x70, s26;
	s28 =	sshrl.u32 s28, $0x2  }
0x20: {  	s28 =	sor.u32 s29, s28  }
0x21: {  	[tilespmem:s28+$0x2800] =	vst v0  }
0x22: {  	[spmem:s4] =	stream.linear.scatter [tilespmem:s18], [sflag:$0x3], $0x4000, $0x38;
	[tilespmem:$0x1E800] =	vst v63  }
0x23: {  	_ =	swait.ge [sflag:s19], $0x4000  }
0x24: {  	[sflag:s19] =	ssyncset.done $0x0  }
0x25: {  	s0 =	rddreg [dreg:$0x3];
	[sflag:s19] =	ssyncadd.s32 $0xFFFFC000  }
0x26: {  	[spmem:s0] =	stream.linear.scatter [tilespmem:s18], [sflag:$0x3], $0x4000, $0x38;
	[tilespmem:$0x1E800] =	vst v63  }
0x27: {  	_ =	swait.ge [sflag:s19], $0x4000  }
0x28: {  	[sflag:s19] =	ssyncset.done $0x0  }
0x29: {  	[sflag:s19] =	ssyncadd.s32 $0xFFFFC000  }
0x2a: {  	[spmem:s6] =	stream.linear.scatter [tilespmem:s18], [sflag:$0x3], $0x4000, $0x38;
	[tilespmem:$0x1E800] =	vst v63  }
0x2b: {  	_ =	swait.ge [sflag:s19], $0x4000  }
0x2c: {  	[sflag:s19] =	ssyncset.done $0x0  }
0x2d: {  	[sflag:s19] =	ssyncadd.s32 $0xFFFFC000  }
0x2e: {  	[spmem:s7] =	stream.linear.scatter [tilespmem:s18], [sflag:$0x3], $0x4000, $0x38;
	[tilespmem:$0x1E800] =	vst v63  }
0x2f: {  	_ =	swait.ge [sflag:s19], $0x4000  }
0x30: {  	[sflag:s19] =	ssyncset.done $0x0  }
0x31: {  	[sflag:s19] =	ssyncadd.s32 $0xFFFFC000  }
0x32: {  	[spmem:s9] =	stream.linear.scatter [tilespmem:s18], [sflag:$0x3], $0x4000, $0x38;
	[tilespmem:$0x1E800] =	vst v63  }
0x33: {  	_ =	swait.ge [sflag:s19], $0x4000  }
0x34: {  	[sflag:s19] =	ssyncset.done $0x0  }
0x35: {  	[sflag:s19] =	ssyncadd.s32 $0xFFFFC000  }
0x36: {  	s5 =	simm.s32 $0x0;
	[bflag:$0x0] =	sbarrier.arrive $0xFFFF  }
0x37: {  	[tilespmem:s5], [sflag:$0x3] =	stream.linear.gather [hbm4b:s8+s5], $0x1400, $0x38;
	[tilespmem:$0x1E800] =	vst v63  }
0x38: {  	_ =	swait.ge [sflag:s19], $0x1400  }
0x39: {  	[sflag:s19] =	ssyncset.done $0x0  }
0x3a: {  	[sflag:s19] =	ssyncadd.s32 $0xFFFFEC00  }
0x3b: {  	[tilespmem:s20], [sflag:$0x3] =	stream.linear.gather [hbm4b:s10+s5], $0x1400, $0x38;
	[tilespmem:$0x1E800] =	vst v63  }
0x3c: {  	_ =	swait.ge [sflag:s19], $0x1400  }
0x3d: {  	[sflag:s19] =	ssyncset.done $0x0  }
0x3e: {  	[sflag:s19] =	ssyncadd.s32 $0xFFFFEC00  }
0x3f: {  	[tilespmem:s18], [sflag:$0x1] =	stream.indirect.gather [hbm4b:s11+s21], $0x80, s5, s21, $0xb8;
	[tilespmem:$0x1E800] =	vst v63  }
0x40: {  	_ =	swait.ge [sflag:s22], $0x4000  }
0x41: {  	[sflag:s22] =	ssyncset.done $0x0  }
0x42: {  	s26 =	simm.s32 $0x80;
	[sflag:s22] =	ssyncadd.s32 $0xFFFFC000  }
0x43: {  	[tilespmem:s23], [sflag:$0x2] =	stream.indirect.gather [hbm4b:s11+s21], $0x80, s26, s21, $0xb8;
	[tilespmem:$0x1E800] =	vst v63  }
0x44: {  	s28 =	simm.s32 $0x1400  }
0x45: {  	[spmem:s2] =	stream.indirect.scatter.add.f32 [tilespmem:s18], [sflag:$0x4], $0x80, s28, s21, $0xb8;
	[tilespmem:$0x1E800] =	vst v63  }
0x46: {  	_ =	swait.ge [sflag:s24], $0x4000  }
0x47: {  	[sflag:s24] =	ssyncset.done $0x0  }
0x48: {  	[sflag:s24] =	ssyncadd.s32 $0xFFFFC000  }
0x49: {  	_ =	swait.ge [sflag:s25], $0x4000  }
0x4a: {  	[sflag:s25] =	ssyncset.done $0x0  }
0x4b: {  	s29 =	simm.s32 $0x100;
	[sflag:s25] =	ssyncadd.s32 $0xFFFFC000  }
0x4c: {  	[tilespmem:s18], [sflag:$0x1] =	stream.indirect.gather [hbm4b:s11+s21], $0x80, s29, s21, $0xb8;
	[tilespmem:$0x1E800] =	vst v63  }
0x4d: {  	s31 =	simm.s32 $0x1480  }
0x4e: {  	[spmem:s2] =	stream.indirect.scatter.add.f32 [tilespmem:s23], [sflag:$0x3], $0x80, s31, s21, $0xb8;
	[tilespmem:$0x1E800] =	vst v63  }
0x4f: {  	_ =	swait.ge [sflag:s19], $0x4000  }
0x50: {  	s0 =	simm.s32 $0x400;
	[sflag:s19] =	ssyncset.done $0x0  }
.LBB2_4:
0x51: {  	p1 =	sne.s32 s0, $0x4800  }
0x52: {  	[sflag:s19] =	ssyncadd.s32 $0xFFFFC000;
	s26 =	smov.u32 s0;
	s0 =	sadd.s32 $0x400, s0  }
0x53: {  	_ = 	snop  }
0x54: {  	_ =	swait.ge [sflag:s22], $0x4000  }
0x55: {  	s26 =	sshra.s32 s26, $0x2;
	[sflag:s22] =	ssyncset.done $0x0  }
0x56: {  	s28 =	sadd.s32 $0x80, s26;
	[sflag:s22] =	ssyncadd.s32 $0xFFFFC000  }
0x57: {  	[tilespmem:s23], [sflag:$0x2] =	stream.indirect.gather [hbm4b:s11+s21], $0x80, s28, s21, $0xb8;
	[tilespmem:$0x1E800] =	vst v63  }
0x58: {  	s28 =	sadd.s32 $0x1400, s26  }
0x59: {  	[spmem:s2] =	stream.indirect.scatter.add.f32 [tilespmem:s18], [sflag:$0x4], $0x80, s28, s21, $0xb8;
	[tilespmem:$0x1E800] =	vst v63  }
0x5a: {  	_ =	swait.ge [sflag:s24], $0x4000  }
0x5b: {  	[sflag:s24] =	ssyncset.done $0x0  }
0x5c: {  	[sflag:s24] =	ssyncadd.s32 $0xFFFFC000  }
0x5d: {  	_ =	swait.ge [sflag:s25], $0x4000  }
0x5e: {  	[sflag:s25] =	ssyncset.done $0x0  }
0x5f: {  	s28 =	sadd.s32 $0x100, s26;
	[sflag:s25] =	ssyncadd.s32 $0xFFFFC000  }
0x60: {  	[tilespmem:s18], [sflag:$0x1] =	stream.indirect.gather [hbm4b:s11+s21], $0x80, s28, s21, $0xb8;
	[tilespmem:$0x1E800] =	vst v63  }
.Ltmp1:
0x61: {  	_ = 	snop;
	(pc) =	sbr.rel @p1 .LBB2_4-.Ltmp1, $4  }
0x62: {  	s26 =	sadd.s32 $0x1480, s26  }
0x63: {  	[spmem:s2] =	stream.indirect.scatter.add.f32 [tilespmem:s23], [sflag:$0x3], $0x80, s26, s21, $0xb8;
	[tilespmem:$0x1E800] =	vst v63  }
0x64: {  	_ =	swait.ge [sflag:s19], $0x4000  }
0x65: {  	[sflag:s19] =	ssyncset.done $0x0  }
0x66: {  	[sflag:s19] =	ssyncadd.s32 $0xFFFFC000  }
0x67: {  	_ =	swait.ge [sflag:s22], $0x4000  }
0x68: {  	[sflag:s22] =	ssyncset.done $0x0  }
0x69: {  	s0 =	simm.s32 $0x1380;
	[sflag:s22] =	ssyncadd.s32 $0xFFFFC000  }
0x6a: {  	[tilespmem:s23], [sflag:$0x2] =	stream.indirect.gather [hbm4b:s11+s21], $0x80, s0, s21, $0xb8;
	[tilespmem:$0x1E800] =	vst v63  }
0x6b: {  	s1 =	simm.s32 $0x2700  }
0x6c: {  	[spmem:s2] =	stream.indirect.scatter.add.f32 [tilespmem:s18], [sflag:$0x4], $0x80, s1, s21, $0xb8;
	[tilespmem:$0x1E800] =	vst v63  }
0x6d: {  	_ =	swait.ge [sflag:s24], $0x4000  }
0x6e: {  	[sflag:s24] =	ssyncset.done $0x0  }
0x6f: {  	[sflag:s24] =	ssyncadd.s32 $0xFFFFC000  }
0x70: {  	_ =	swait.ge [sflag:s25], $0x4000  }
0x71: {  	[sflag:s25] =	ssyncset.done $0x0  }
0x72: {  	s3 =	simm.s32 $0x2780;
	[sflag:s25] =	ssyncadd.s32 $0xFFFFC000  }
0x73: {  	[spmem:s2] =	stream.indirect.scatter.add.f32 [tilespmem:s23], [sflag:$0x3], $0x80, s3, s21, $0xb8;
	[tilespmem:$0x1E800] =	vst v63  }
0x74: {  	_ =	swait.ge [sflag:s19], $0x4000  }
0x75: {  	[sflag:s19] =	ssyncset.done $0x0  }
0x76: {  	s5 =	simm.s32 $0x0;
	[sflag:s19] =	ssyncadd.s32 $0xFFFFC000  }
0x77: {  	[tilespmem:s5], [sflag:$0x3] =	stream.linear.gather [hbm4b:s12+s5], $0x1400, $0x38;
	[tilespmem:$0x1E800] =	vst v63  }
0x78: {  	_ =	swait.ge [sflag:s19], $0x1400  }
0x79: {  	[sflag:s19] =	ssyncset.done $0x0  }
0x7a: {  	[sflag:s19] =	ssyncadd.s32 $0xFFFFEC00  }
0x7b: {  	[tilespmem:s20], [sflag:$0x3] =	stream.linear.gather [hbm4b:s13+s5], $0x1400, $0x38;
	[tilespmem:$0x1E800] =	vst v63  }
0x7c: {  	s26 =	sadd.s32 $0xFFFFFFFF, s17;
	_ =	swait.ge [sflag:s19], $0x1400  }
0x7d: {  	p2 =	sgt.u32 s26, $0x4E1;
	[sflag:s19] =	ssyncset.done $0x0  }
0x7e: {  	s0 =	simm.s32 @!p2 $0x1;
	[sflag:s19] =	ssyncadd.s32 $0xFFFFEC00  }
0x7f: {  	[tilespmem:s18], [sflag:$0x1] =	stream.indirect.gather [hbm4b:s11+s21], $0x80, s5, s21, $0xb8;
	[tilespmem:$0x1E800] =	vst v63  }
0x80: {  	_ =	swait.ge @!p2 [sflag:s0], $0x4000  }
0x81: {  	s26 =	simm.s32 @!p2 $0x80;
	[sflag:s0] =	ssyncset.done @!p2 $0x0  }
0x82: {  	s28 =	simm.s32 @!p2 $0x6800;
	[sflag:s0] =	ssyncadd.s32 @!p2 $0xFFFFC000;
	s0 =	simm.s32 @!p2 $0x80  }
0x83: {  	[tilespmem:s28], [sflag:$0x2] =	stream.indirect.gather @!p2 [hbm4b:s11+s0], $0x80, s26, s0, $0xb8;
	[tilespmem:$0x1E800] =	vst v63  }
0x84: {  	s29 =	simm.s32 @!p2 $0x4;
	s26 =	simm.s32 @!p2 $0x1400;
	s28 =	simm.s32 @!p2 $0x2800  }
0x85: {  	[spmem:s2] =	stream.indirect.scatter.add.f32 @!p2 [tilespmem:s28], [sflag:$0x4], $0x80, s26, s0, $0xb8;
	[tilespmem:$0x1E800] =	vst v63  }
0x86: {  	_ =	swait.ge @!p2 [sflag:s29], $0x4000  }
0x87: {  	p1 =	sgt.u32 s17, $0x4E1;
	s26 =	sadd.s32 $0x0, s16;
	[sflag:s29] =	ssyncset.done @!p2 $0x0  }
0x88: {  	s0 =	simm.s32 @!p1 $0x2;
	[sflag:s29] =	ssyncadd.s32 @!p2 $0xFFFFC000;
	p2 =	seq.s32 @!p1 s26, $0x0  }
0x89: {  	_ =	swait.ge @!p1 [sflag:s0], $0x4000;
	p2 =	por p2, p1  }
0x8a: {  	s31 =	sadd.s32 $0x2, s17;
	[sflag:s0] =	ssyncset.done @!p1 $0x0;
	s26 =	simm.s32 @!p2 $0x100  }
0x8b: {  	s28 =	simm.s32 @!p2 $0x80;
	[sflag:s0] =	ssyncadd.s32 @!p1 $0xFFFFC000;
	s0 =	simm.s32 @!p2 $0x2800  }
0x8c: {  	[tilespmem:s0], [sflag:$0x1] =	stream.indirect.gather @!p2 [hbm4b:s11+s28], $0x80, s26, s28, $0xb8;
	[tilespmem:$0x1E800] =	vst v63  }
0x8d: {  	s0 =	simm.s32 @!p1 $0x1480;
	s26 =	simm.s32 @!p1 $0x80;
	s28 =	simm.s32 @!p1 $0x6800  }
0x8e: {  	[spmem:s2] =	stream.indirect.scatter.add.f32 @!p1 [tilespmem:s28], [sflag:$0x3], $0x80, s0, s26, $0xb8;
	[tilespmem:$0x1E800] =	vst v63  }
0x8f: {  	s29 =	sadd.s32 $0xFFFFFFFF, s31;
	s28 =	simm.s32 @!p1 $0x3  }
0x90: {  	s0 =	simm.s32 $0x400;
	s26 =	simm.s32 $0x800;
	_ =	swait.ge @!p1 [sflag:s28], $0x4000  }
.LBB2_6:
0x91: {  	p3 =	sgt.u32 s29, $0x4E1  }
0x92: {  	[sflag:s28] =	ssyncset.done @!p1 $0x0;
	s1 =	smov.u32 s26;
	s26 =	sadd.s32 $0x400, s26  }
0x93: {  	s29 =	simm.s32 @!p3 $0x1;
	s3 =	sshra.s32 @!p3 s0, $0x2;
	[sflag:s28] =	ssyncadd.s32 @!p1 $0xFFFFC000  }
0x94: {  	_ =	swait.ge @!p3 [sflag:s29], $0x4000;
	s28 =	sadd.s32 @!p3 $0x80, s3;
	s3 =	sadd.s32 @!p3 $0x1400, s3  }
0x95: {  	p2 =	sne.s32 s26, $0x4C00;
	[sflag:s29] =	ssyncset.done @!p3 $0x0  }
0x96: {  	s5 =	simm.s32 @!p3 $0x6800;
	[sflag:s29] =	ssyncadd.s32 @!p3 $0xFFFFC000;
	s29 =	simm.s32 @!p3 $0x80  }
0x97: {  	[tilespmem:s5], [sflag:$0x2] =	stream.indirect.gather @!p3 [hbm4b:s11+s29], $0x80, s28, s29, $0xb8;
	[tilespmem:$0x1E800] =	vst v63  }
0x98: {  	s5 =	simm.s32 @!p3 $0x2800;
	s28 =	simm.s32 @!p3 $0x4  }
0x99: {  	[spmem:s2] =	stream.indirect.scatter.add.f32 @!p3 [tilespmem:s5], [sflag:$0x4], $0x80, s3, s29, $0xb8;
	[tilespmem:$0x1E800] =	vst v63  }
0x9a: {  	_ =	swait.ge @!p3 [sflag:s28], $0x4000  }
0x9b: {  	p1 =	sgt.u32 s31, $0x4E1;
	s3 =	sadd.s32 s0, s16;
	[sflag:s28] =	ssyncset.done @!p3 $0x0  }
0x9c: {  	s5 =	simm.s32 @!p1 $0x2;
	[sflag:s28] =	ssyncadd.s32 @!p3 $0xFFFFC000;
	s28 =	sshra.s32 @!p1 s0, $0x2  }
0x9d: {  	p3 =	seq.s32 @!p1 s3, $0x0;
	_ =	swait.ge @!p1 [sflag:s5], $0x4000;
	s3 =	sadd.s32 @!p1 $0x1480, s28  }
0x9e: {  	s31 =	sadd.s32 $0x2, s31;
	p3 =	por p3, p1;
	[sflag:s5] =	ssyncset.done @!p1 $0x0  }
0x9f: {  	s0 =	sshra.s32 @!p3 s0, $0x2;
	[sflag:s5] =	ssyncadd.s32 @!p1 $0xFFFFC000;
	s5 =	simm.s32 @!p3 $0x2800  }
.Ltmp2:
0xa0: {  	s28 =	simm.s32 @!p3 $0x80;
	s0 =	sadd.s32 @!p3 $0x100, s0;
	(pc) =	sbr.rel @p2 .LBB2_6-.Ltmp2, $4  }
0xa1: {  	[tilespmem:s5], [sflag:$0x1] =	stream.indirect.gather @!p3 [hbm4b:s11+s28], $0x80, s0, s28, $0xb8;
	[tilespmem:$0x1E800] =	vst v63  }
0xa2: {  	s0 =	simm.s32 @!p1 $0x80;
	s5 =	simm.s32 @!p1 $0x6800;
	s28 =	simm.s32 @!p1 $0x3  }
0xa3: {  	[spmem:s2] =	stream.indirect.scatter.add.f32 @!p1 [tilespmem:s5], [sflag:$0x3], $0x80, s3, s0, $0xb8;
	[tilespmem:$0x1E800] =	vst v63  }
0xa4: {  	s29 =	sadd.s32 $0xFFFFFFFF, s31;
	s0 =	smov.u32 s1;
	_ =	swait.ge @!p1 [sflag:s28], $0x4000  }
0xa5: {  	p2 =	sgt.u32 s29, $0x4E1;
	[sflag:s28] =	ssyncset.done @!p1 $0x0  }
0xa6: {  	s1 =	simm.s32 @!p2 $0x1;
	[sflag:s28] =	ssyncadd.s32 @!p1 $0xFFFFC000  }
0xa7: {  	_ =	swait.ge @!p2 [sflag:s1], $0x4000  }
0xa8: {  	s3 =	sshra.s32 @!p2 s0, $0x2;
	s26 =	simm.s32 @!p2 $0x6800;
	[sflag:s1] =	ssyncset.done @!p2 $0x0  }
0xa9: {  	s5 =	sadd.s32 @!p2 $0x80, s3;
	[sflag:s1] =	ssyncadd.s32 @!p2 $0xFFFFC000;
	s1 =	simm.s32 @!p2 $0x80  }
0xaa: {  	[tilespmem:s26], [sflag:$0x2] =	stream.indirect.gather @!p2 [hbm4b:s11+s1], $0x80, s5, s1, $0xb8;
	[tilespmem:$0x1E800] =	vst v63  }
0xab: {  	s3 =	sadd.s32 @!p2 $0x1400, s3;
	s5 =	simm.s32 @!p2 $0x2800;
	s26 =	simm.s32 @!p2 $0x4  }
0xac: {  	[spmem:s2] =	stream.indirect.scatter.add.f32 @!p2 [tilespmem:s5], [sflag:$0x4], $0x80, s3, s1, $0xb8;
	[tilespmem:$0x1E800] =	vst v63  }
0xad: {  	p1 =	sgt.u32 s31, $0x4E1;
	_ =	swait.ge @!p2 [sflag:s26], $0x4000  }
0xae: {  	s1 =	sadd.s32 s0, s16;
	s3 =	simm.s32 @!p1 $0x2;
	[sflag:s26] =	ssyncset.done @!p2 $0x0  }
0xaf: {  	[sflag:s26] =	ssyncadd.s32 @!p2 $0xFFFFC000;
	p2 =	seq.s32 @!p1 s1, $0x0;
	s1 =	sshra.s32 @!p1 s0, $0x2  }
0xb0: {  	_ =	swait.ge @!p1 [sflag:s3], $0x4000;
	p2 =	por p2, p1;
	s1 =	sadd.s32 @!p1 $0x1480, s1  }
0xb1: {  	[sflag:s3] =	ssyncset.done @!p1 $0x0;
	s0 =	sshra.s32 @!p2 s0, $0x2;
	s5 =	simm.s32 @!p2 $0x80  }
0xb2: {  	[sflag:s3] =	ssyncadd.s32 @!p1 $0xFFFFC000;
	s3 =	simm.s32 @!p2 $0x2800;
	s0 =	sadd.s32 @!p2 $0x100, s0  }
0xb3: {  	[tilespmem:s3], [sflag:$0x1] =	stream.indirect.gather @!p2 [hbm4b:s11+s5], $0x80, s0, s5, $0xb8;
	[tilespmem:$0x1E800] =	vst v63  }
0xb4: {  	s0 =	simm.s32 @!p1 $0x80;
	s3 =	simm.s32 @!p1 $0x6800;
	s5 =	simm.s32 @!p1 $0x3  }
0xb5: {  	[spmem:s2] =	stream.indirect.scatter.add.f32 @!p1 [tilespmem:s3], [sflag:$0x3], $0x80, s1, s0, $0xb8;
	[tilespmem:$0x1E800] =	vst v63  }
0xb6: {  	_ =	swait.ge @!p1 [sflag:s5], $0x4000  }
0xb7: {  	[sflag:s5] =	ssyncset.done @!p1 $0x0  }
0xb8: {  	s0 =	simm.s32 @!p0 $0x1;
	[sflag:s5] =	ssyncadd.s32 @!p1 $0xFFFFC000  }
0xb9: {  	_ =	swait.ge @!p0 [sflag:s0], $0x4000  }
0xba: {  	s1 =	simm.s32 @!p0 $0x1380;
	[sflag:s0] =	ssyncset.done @!p0 $0x0  }
0xbb: {  	s3 =	simm.s32 @!p0 $0x6800;
	[sflag:s0] =	ssyncadd.s32 @!p0 $0xFFFFC000;
	s0 =	simm.s32 @!p0 $0x80  }
0xbc: {  	[tilespmem:s3], [sflag:$0x2] =	stream.indirect.gather @!p0 [hbm4b:s11+s0], $0x80, s1, s0, $0xb8;
	[tilespmem:$0x1E800] =	vst v63  }
0xbd: {  	s5 =	simm.s32 @!p0 $0x2800;
	s1 =	simm.s32 @!p0 $0x2700  }
0xbe: {  	[spmem:s2] =	stream.indirect.scatter.add.f32 @!p0 [tilespmem:s5], [sflag:$0x4], $0x80, s1, s0, $0xb8;
	[tilespmem:$0x1E800] =	vst v63  }
0xbf: {  	s1 =	simm.s32 @!p0 $0x4  }
0xc0: {  	_ =	swait.ge @!p0 [sflag:s1], $0x4000  }
0xc1: {  	[sflag:s1] =	ssyncset.done @!p0 $0x0  }
0xc2: {  	[sflag:s1] =	ssyncadd.s32 @!p0 $0xFFFFC000;
	s1 =	simm.s32 @!p0 $0x2  }
0xc3: {  	_ =	swait.ge @!p0 [sflag:s1], $0x4000  }
0xc4: {  	[sflag:s1] =	ssyncset.done @!p0 $0x0  }
0xc5: {  	[sflag:s1] =	ssyncadd.s32 @!p0 $0xFFFFC000;
	s1 =	simm.s32 @!p0 $0x2780  }
0xc6: {  	[spmem:s2] =	stream.indirect.scatter.add.f32 @!p0 [tilespmem:s3], [sflag:$0x3], $0x80, s1, s0, $0xb8;
	[tilespmem:$0x1E800] =	vst v63  }
0xc7: {  	s0 =	simm.s32 @!p0 $0x3  }
0xc8: {  	s29 =	stileid.u32;
	_ =	swait.ge @!p0 [sflag:s0], $0x4000  }
0xc9: {  	s30 =	sadd.s32 $0x1, s30;
	s31 =	sshrl.u32 s4, $0x3;
	[sflag:s0] =	ssyncset.done @!p0 $0x0  }
0xca: {  	p1 =	sne.s32 s30, s15;
	[sflag:s0] =	ssyncadd.s32 @!p0 $0xFFFFC000;
	s0 =	sshll.u32 s29, $0x6  }
.Ltmp3:
0xcb: {  	[bflag:$0x0] =	sbarrier.arrive $0xFFFF;
	s0 =	sor.u32 $0x1C03, s0;
	(pc) =	sbr.rel @p1 .LBB2_1-.Ltmp3, $4  }
0xcc: {  	[hbm:s14], [sflag:s0] =	dma.local [spmem:s31], $0x2800  }
0xcd: {  	_ =	swait.ge [sflag:s19], $0x2800  }
0xce: {  	[sflag:s19] =	ssyncset.done $0x0  }
0xcf: {  	[sflag:s19] =	ssyncadd.s32 $0xFFFFD800  }
0xd0: {  	_ =	sfence.sel $0x180000  }
0xd1: {  	[bflag:$0x0] =	sbarrier.arrive $0xFFFF  }
0xd2: {  	_ =	strace $0x9000004A  }
0xd3: {  	s0 =	stileid.u32;
	[bflag:$0x2] =	sbarrier.arrive $0xFFFF  }
0xd4: {  	p0 =	sne.s32 s0, $0x0;
	s0 =	rddreg [dreg:$0x2]  }
0xd5: {  	s0 =	sadd.s32 @!p0 $0x100000, s0  }
0xd6: {  	[sflag:s0] =	ssyncadd.tile.s32 @!p0 $0x1;
	_ =	shalt  }
.Lfunc_end2:
_tile_overlayer_lowered:
.L_overlay_start_2:
0xd7: {  	(tag) =	ssettag $0x2  }
0xd8: {  	s0 =	rddreg [dreg:$0x0];
	s2 =	stileid.u32  }
0xd9: {  	s1 =	rddreg [dreg:$0x1];
	p0 =	sne.s32 s2, $0x0  }
0xda: {  	s3 =	rddreg [dreg:$0x2];
	[bflag:$0x3] =	sbarrier.arrive $0xFFFF;
	s2 =	simm.s32 @!p0 $0x1C03  }
0xdb: {  	[timem:s3], [sflag:s2] =	dma.local @!p0 [hbm:s0], s1  }
0xdc: {  	s0 =	simm.s32 @!p0 $0x3  }
0xdd: {  	_ =	swait.ge @!p0 [sflag:s0], s1  }
0xde: {  	s1 =	ssub.s32 @!p0 $0x0, s1;
	[sflag:s0] =	ssyncset.done @!p0 $0x0  }
0xdf: {  	[sflag:s0] =	ssyncadd.s32 @!p0 s1  }
0xe0: {  	[bflag:$0x3] =	sbarrier.arrive $0xFFFF  }
0xe1: {  	_ =	shalt  }

</sc_bundles>
